<compile_context>
chip_gen: v7x
topology: tpu7x:2x2x1
jax: 0.10.2.dev20260603
libtpu: 0.0.44.dev20260713+nightly
codegen_flags: <defaults>
</compile_context>

<pallas_src>
import functools

import jax
import jax.numpy as jnp
from jax import lax
from jax.experimental import pallas as pl
from jax.experimental.pallas import tpu as pltpu
from jax.experimental.pallas import tpu_sc as plsc


def _p_body(x_ref, w_ref, b_ref, out_ref):
    out_ref[...] = (
        jnp.dot(x_ref[...], w_ref[...], preferred_element_type=jnp.float32)
        + b_ref[...][None, :]
    )


def _q_body(ef_ref, w_ref, out_ref):
    out_ref[...] = jnp.dot(ef_ref[...], w_ref[...], preferred_element_type=jnp.float32)


def _edge_sc_body(p_hbm, q_hbm, src_hbm, dst_hbm, out_hbm,
                  src_v, dst_v, p0, p1, q0, q1, db0, db1, acc,
                  sp0, sp1, sq0, sq1,
                  *, n_pad, c_chunk, n_chunks, e_per_w):
    nc = 2
    c = lax.axis_index("c")
    s = lax.axis_index("s")
    wid = s * nc + c

    p_bufs = (p0, p1)
    q_bufs = (q0, q1)
    d_bufs = (db0, db1)
    p_sems = (sp0, sp1)
    q_sems = (sq0, sq1)

    pltpu.sync_copy(src_hbm.at[pl.ds(wid * e_per_w, e_per_w)], src_v)
    pltpu.sync_copy(dst_hbm.at[pl.ds(wid * e_per_w, e_per_w)], dst_v)

    def _zero_row(r, _):
        for g in range(8):
            p0[r, pl.ds(g * 16, 16)] = jnp.zeros((16,), jnp.float32)
        return 0

    lax.fori_loop(0, c_chunk, _zero_row, 0)
    rows_per_tile = n_pad // 16
    stripe = 40
    copies = rows_per_tile // stripe

    def _zero_stripe(k, _):
        off = s * rows_per_tile + k * stripe
        pltpu.sync_copy(p0.at[pl.ds(0, stripe)], acc.at[pl.ds(off, stripe)])
        return 0

    lax.fori_loop(0, copies, _zero_stripe, 0)
    plsc.subcore_barrier()

    def _start(j, b):
        for g in range(c_chunk // 16):
            d_bufs[b][pl.ds(g * 16, 16)] = dst_v[pl.ds(j * c_chunk + g * 16, 16)]
        pltpu.async_copy(p_hbm.at[src_v.at[pl.ds(j * c_chunk, c_chunk)]],
                         p_bufs[b], p_sems[b])
        off = wid * e_per_w + j * c_chunk
        pltpu.async_copy(q_hbm.at[pl.ds(off, c_chunk)], q_bufs[b], q_sems[b])

    def _finish(j, b):
        pb, qb = p_bufs[b], q_bufs[b]
        pltpu.make_async_copy(p_hbm.at[src_v.at[pl.ds(j * c_chunk, c_chunk)]],
                              pb, p_sems[b]).wait()
        pltpu.make_async_copy(q_hbm.at[pl.ds(0, c_chunk)], qb, q_sems[b]).wait()

        def _row(r4, _):
            for rr in range(4):
                r = r4 * 4 + rr
                for g in range(8):
                    v = pb[r, pl.ds(g * 16, 16)] + qb[r, pl.ds(g * 16, 16)]
                    pb[r, pl.ds(g * 16, 16)] = jnp.maximum(v, 0.0)
            return 0

        lax.fori_loop(0, c_chunk // 4, _row, 0)
        pltpu.sync_copy(pb, acc.at[d_bufs[b]], add=True)

    _start(0, 0)

    def _pair(k, _):
        j0 = k * 2
        j1 = j0 + 1

        @pl.when(j1 < n_chunks)
        def _():
            _start(j1, 1)

        _finish(j0, 0)

        @pl.when(j0 + 2 < n_chunks)
        def _():
            _start(j0 + 2, 0)

        @pl.when(j1 < n_chunks)
        def _():
            _finish(j1, 1)

        return 0

    lax.fori_loop(0, (n_chunks + 1) // 2, _pair, 0)
    plsc.subcore_barrier()

    def _out_stripe(k, _):
        off = s * rows_per_tile + k * stripe
        pltpu.sync_copy(acc.at[pl.ds(off, stripe)],
                        out_hbm.at[c, pl.ds(off, stripe)])
        return 0

    lax.fori_loop(0, copies, _out_stripe, 0)


def _update_body(sp_ref, x_ref, wm2_ref, bm2_ref, wu1a_ref, wu1b_ref,
                 bu1_ref, wu2_ref, bu2_ref, out_ref, *, n):
    s = sp_ref[0, :n, :] + sp_ref[1, :n, :]
    z = jnp.dot(s, wm2_ref[...], preferred_element_type=jnp.float32)
    a = (jnp.dot(x_ref[...], wu1a_ref[...], preferred_element_type=jnp.float32)
         + jnp.dot(z, wu1b_ref[...], preferred_element_type=jnp.float32)
         + bu1_ref[...][None, :])
    h2 = jnp.maximum(a, 0.0)
    out_ref[...] = (jnp.dot(h2, wu2_ref[...], preferred_element_type=jnp.float32)
                    + bu2_ref[...][None, :])


def kernel(node_features, edge_index, edge_features,
           W_M1, b_M1, W_M2, b_M2, W_U1, b_U1, W_U2, b_U2):
    n, d = node_features.shape
    e, de = edge_features.shape
    h = W_M1.shape[1]
    assert (d, de, h) == (128, 16, 128)

    nw = 32
    c_chunk = 48
    e_per_w = ((e // nw + c_chunk - 1) // c_chunk) * c_chunk
    n_chunks = e_per_w // c_chunk
    e_pad = nw * e_per_w
    n_pad = 10240

    pad = e_pad - e
    src = jnp.concatenate([edge_index[0], jnp.zeros((pad,), jnp.int32)])
    dst = jnp.concatenate([edge_index[1],
                           jnp.full((pad,), n_pad - 1, jnp.int32)])
    ef_pad = jnp.concatenate([edge_features,
                              jnp.zeros((pad, de), jnp.float32)])

    p = pl.pallas_call(
        _p_body,
        out_shape=jax.ShapeDtypeStruct((n, h), jnp.float32),
    )(node_features, W_M1[:d], b_M1)

    eb = 6688
    q = pl.pallas_call(
        _q_body,
        grid=(e_pad // eb,),
        in_specs=[
            pl.BlockSpec((eb, de), lambda i: (i, 0)),
            pl.BlockSpec((de, h), lambda i: (0, 0)),
        ],
        out_specs=pl.BlockSpec((eb, h), lambda i: (i, 0)),
        out_shape=jax.ShapeDtypeStruct((e_pad, h), jnp.float32),
    )(ef_pad, W_M1[d:])

    mesh = plsc.VectorSubcoreMesh(core_axis_name="c", subcore_axis_name="s")
    edge_kernel = pl.kernel(
        functools.partial(_edge_sc_body, n_pad=n_pad, c_chunk=c_chunk,
                          n_chunks=n_chunks, e_per_w=e_per_w),
        out_type=jax.ShapeDtypeStruct((2, n_pad, 128), jnp.float32),
        mesh=mesh,
        scratch_types=[
            pltpu.VMEM((e_per_w,), jnp.int32),
            pltpu.VMEM((e_per_w,), jnp.int32),
            pltpu.VMEM((c_chunk, 128), jnp.float32),
            pltpu.VMEM((c_chunk, 128), jnp.float32),
            pltpu.VMEM((c_chunk, 128), jnp.float32),
            pltpu.VMEM((c_chunk, 128), jnp.float32),
            pltpu.VMEM((c_chunk,), jnp.int32),
            pltpu.VMEM((c_chunk,), jnp.int32),
            pltpu.VMEM_SHARED((n_pad, 128), jnp.float32),
            pltpu.SemaphoreType.DMA,
            pltpu.SemaphoreType.DMA,
            pltpu.SemaphoreType.DMA,
            pltpu.SemaphoreType.DMA,
        ],
    )
    sp = edge_kernel(p, q, src, dst)

    out = pl.pallas_call(
        functools.partial(_update_body, n=n),
        out_shape=jax.ShapeDtypeStruct((n, d), jnp.float32),
    )(sp, node_features, W_M2, b_M2, W_U1[:d], W_U1[d:], b_U1, W_U2, b_U2)
    return out

# --- scband reference (transcript-rebuilt; emitter-appended) ---
"""Pipeline reference for scband-mpgnn-33019708572043 (READ-ONLY COPY).

The authoritative reference and input builder live on the scoring server;
editing this copy changes nothing except your own understanding.
"""

import jax, jax.numpy as jnp
import numpy as np

N = 10000
E = 320000
D = 128
DE = 16
H = 128


def setup_inputs(seed: int = 0) -> dict:
    key = jax.random.key(seed)
    ks = jax.random.split(key, 12)
    node_features = jax.random.normal(ks[0], (N, D), dtype=jnp.float32)
    edge_index = jax.random.randint(ks[1], (2, E), 0, N, dtype=jnp.int32)
    edge_features = jax.random.normal(ks[2], (E, DE), dtype=jnp.float32)
    # Message MLP M: Linear(D+DE -> H), ReLU, (dropout p=0.0), Linear(H -> D)
    W_M1 = jax.random.normal(ks[3], (D + DE, H), dtype=jnp.float32) / np.sqrt(D + DE)
    b_M1 = jnp.zeros((H,), dtype=jnp.float32)
    W_M2 = jax.random.normal(ks[4], (H, D), dtype=jnp.float32) / np.sqrt(H)
    b_M2 = jnp.zeros((D,), dtype=jnp.float32)
    # Update MLP U: Linear(D+D -> H), ReLU, (dropout p=0.0), Linear(H -> D)
    W_U1 = jax.random.normal(ks[5], (2 * D, H), dtype=jnp.float32) / np.sqrt(2 * D)
    b_U1 = jnp.zeros((H,), dtype=jnp.float32)
    W_U2 = jax.random.normal(ks[6], (H, D), dtype=jnp.float32) / np.sqrt(H)
    b_U2 = jnp.zeros((D,), dtype=jnp.float32)
    return {
        "node_features": node_features,
        "edge_index": edge_index,
        "edge_features": edge_features,
        "W_M1": W_M1, "b_M1": b_M1, "W_M2": W_M2, "b_M2": b_M2,
        "W_U1": W_U1, "b_U1": b_U1, "W_U2": W_U2, "b_U2": b_U2,
    }


def reference(node_features, edge_index, edge_features,
              W_M1, b_M1, W_M2, b_M2, W_U1, b_U1, W_U2, b_U2):
    x = node_features
    source = edge_index[0]
    destination = edge_index[1]
    # message = cat(x[source], edge_attr)
    message = jnp.concatenate([jnp.take(x, source, axis=0), edge_features], axis=-1)
    # y = M(message)  (dropout p=0.0 -> identity)
    h = jax.nn.relu(message @ W_M1 + b_M1)
    y = h @ W_M2 + b_M2
    # z = scatter-sum over destination nodes
    z = jax.ops.segment_sum(y, destination, num_segments=x.shape[0])
    # updated = U(cat(x, z))
    u_in = jnp.concatenate([x, z], axis=-1)
    h2 = jax.nn.relu(u_in @ W_U1 + b_U1)
    updated_node_features = h2 @ W_U2 + b_U2
    return updated_node_features

if __name__ == "__main__":
    import jax
    _d = setup_inputs()
    print(jax.jit(kernel)(*tuple(_d.values())))

</pallas_src>

<mosaic_0001>
#map = affine_map<(d0, d1) -> (0, 0)>
#map1 = affine_map<(d0, d1) -> (0)>
#map2 = affine_map<(d0, d1) -> (0, 0, 0)>
module attributes {stable_mosaic.version = 14 : i64} {
  func.func @_edge_sc_body(%arg0: i32, %arg1: i32, %arg2: memref<10000x128xf32, #tpu.memory_space<hbm>>, %arg3: memref<321024x128xf32, #tpu.memory_space<hbm>>, %arg4: memref<321024xi32, #tpu.memory_space<hbm>>, %arg5: memref<321024xi32, #tpu.memory_space<hbm>>, %arg6: memref<2x10240x128xf32, #tpu.memory_space<hbm>>, %arg7: memref<10032xi32, #tpu.memory_space<vmem>>, %arg8: memref<10032xi32, #tpu.memory_space<vmem>>, %arg9: memref<48x128xf32, #tpu.memory_space<vmem>>, %arg10: memref<48x128xf32, #tpu.memory_space<vmem>>, %arg11: memref<48x128xf32, #tpu.memory_space<vmem>>, %arg12: memref<48x128xf32, #tpu.memory_space<vmem>>, %arg13: memref<48xi32, #tpu.memory_space<vmem>>, %arg14: memref<48xi32, #tpu.memory_space<vmem>>, %arg15: memref<10240x128xf32, #tpu.memory_space<vmem_shared>>, %arg16: memref<!tpu.dma_semaphore, #tpu.memory_space<semaphore_mem>>, %arg17: memref<!tpu.dma_semaphore, #tpu.memory_space<semaphore_mem>>, %arg18: memref<!tpu.dma_semaphore, #tpu.memory_space<semaphore_mem>>, %arg19: memref<!tpu.dma_semaphore, #tpu.memory_space<semaphore_mem>>) attributes {dimension_semantics = [#tpu.dimension_semantics<core_parallel>, #tpu.dimension_semantics<subcore_parallel>], iteration_bounds = array<i64: 2, 16>, scalar_prefetch = 0 : i64, scratch_operands = 13 : i64, tpu.core_type = #tpu.core_type<sc_vector_subcore>, window_params = [{transform_indices = #map}, {transform_indices = #map}, {transform_indices = #map1}, {transform_indices = #map1}, {transform_indices = #map2}]} {
    %mul3A = arith.constant 2 : i32
    %mul3A_0 = arith.muli %arg1, %mul3A : i32
    %add3A = arith.addi %mul3A_0, %arg0 : i32
    %mul3A_1 = arith.constant 10032 : i32
    %mul3A_2 = arith.muli %add3A, %mul3A_1 : i32
    "tpu.region"() ({
      %run_scoped3A = tpu.sem_alloc : memref<!tpu.dma_semaphore, #tpu.memory_space<semaphore_mem>>
      %dma_start3A_64 = tpu.memref_slice %arg4[%mul3A_2] : memref<321024xi32, #tpu.memory_space<hbm>> -> memref<10032xi32, #tpu.memory_space<hbm>>
      %dma_start3A_65 = tpu.memref_slice %arg4[%mul3A_2] : memref<321024xi32, #tpu.memory_space<hbm>> -> memref<10032xi32, #tpu.memory_space<hbm>>
      tpu.enqueue_dma source(%dma_start3A_65 : memref<10032xi32, #tpu.memory_space<hbm>>) target(%arg7 : memref<10032xi32, #tpu.memory_space<vmem>>) target_semaphore(%run_scoped3A : memref<!tpu.dma_semaphore, #tpu.memory_space<semaphore_mem>>)
      %dma_wait3A = tpu.memref_slice %arg4[%mul3A_2] : memref<321024xi32, #tpu.memory_space<hbm>> -> memref<10032xi32, #tpu.memory_space<hbm>>
      %dma_wait3A_66 = tpu.memref_slice %arg4[%mul3A_2] : memref<321024xi32, #tpu.memory_space<hbm>> -> memref<10032xi32, #tpu.memory_space<hbm>>
      tpu.wait_dma2 semaphore(%run_scoped3A : memref<!tpu.dma_semaphore, #tpu.memory_space<semaphore_mem>>) src(%dma_wait3A_66 : memref<10032xi32, #tpu.memory_space<hbm>>) dst(%arg7 : memref<10032xi32, #tpu.memory_space<vmem>>)
      tpu.yield
    }) : () -> ()
    %mul3A_3 = arith.constant 10032 : i32
    %mul3A_4 = arith.muli %add3A, %mul3A_3 : i32
    "tpu.region"() ({
      %run_scoped3A = tpu.sem_alloc : memref<!tpu.dma_semaphore, #tpu.memory_space<semaphore_mem>>
      %dma_start3A_64 = tpu.memref_slice %arg5[%mul3A_4] : memref<321024xi32, #tpu.memory_space<hbm>> -> memref<10032xi32, #tpu.memory_space<hbm>>
      %dma_start3A_65 = tpu.memref_slice %arg5[%mul3A_4] : memref<321024xi32, #tpu.memory_space<hbm>> -> memref<10032xi32, #tpu.memory_space<hbm>>
      tpu.enqueue_dma source(%dma_start3A_65 : memref<10032xi32, #tpu.memory_space<hbm>>) target(%arg8 : memref<10032xi32, #tpu.memory_space<vmem>>) target_semaphore(%run_scoped3A : memref<!tpu.dma_semaphore, #tpu.memory_space<semaphore_mem>>)
      %dma_wait3A = tpu.memref_slice %arg5[%mul3A_4] : memref<321024xi32, #tpu.memory_space<hbm>> -> memref<10032xi32, #tpu.memory_space<hbm>>
      %dma_wait3A_66 = tpu.memref_slice %arg5[%mul3A_4] : memref<321024xi32, #tpu.memory_space<hbm>> -> memref<10032xi32, #tpu.memory_space<hbm>>
      tpu.wait_dma2 semaphore(%run_scoped3A : memref<!tpu.dma_semaphore, #tpu.memory_space<semaphore_mem>>) src(%dma_wait3A_66 : memref<10032xi32, #tpu.memory_space<hbm>>) dst(%arg8 : memref<10032xi32, #tpu.memory_space<vmem>>)
      tpu.yield
    }) : () -> ()
    %scan3A = arith.constant 0 : i32
    %scan3A_5 = arith.constant 0 : i32
    %scan3A_6 = arith.constant 48 : i32
    %scan3A_7 = arith.addi %scan3A_5, %scan3A_6 : i32
    %scan3A_8 = arith.constant 1 : i32
    %scan3A_9 = scf.for %scan3A_64 = %scan3A_5 to %scan3A_7 step %scan3A_8 iter_args(%scan3A_65 = %scan3A) -> (i32)  : i32 {
      %broadcast_in_dim3A = arith.constant 0.000000e+00 : f32
      %broadcast_in_dim3A_66 = vector.broadcast %broadcast_in_dim3A : f32 to vector<16xf32>
      %swap3A_67 = arith.index_cast %scan3A_64 : i32 to index
      %swap3A_68 = arith.constant 0 : index
      %swap3A_69 = tpu.vector_load %arg9[%swap3A_67, %swap3A_68] {strides = array<i32>} : memref<48x128xf32, #tpu.memory_space<vmem>>, vector<1x16xf32>,
      %swap3A_70 = vector.shape_cast %swap3A_69 : vector<1x16xf32> to vector<16xf32>
      %swap3A_71 = vector.shape_cast %broadcast_in_dim3A_66 : vector<16xf32> to vector<1x16xf32>
      tpu.vector_store %arg9[%swap3A_67, %swap3A_68], %swap3A_71 {strides = array<i32>} : memref<48x128xf32, #tpu.memory_space<vmem>>, vector<1x16xf32>,
      %broadcast_in_dim3A_72 = arith.constant 0.000000e+00 : f32
      %broadcast_in_dim3A_73 = vector.broadcast %broadcast_in_dim3A_72 : f32 to vector<16xf32>
      %swap3A_74 = arith.index_cast %scan3A_64 : i32 to index
      %swap3A_75 = arith.constant 16 : index
      %swap3A_76 = tpu.vector_load %arg9[%swap3A_74, %swap3A_75] {strides = array<i32>} : memref<48x128xf32, #tpu.memory_space<vmem>>, vector<1x16xf32>,
      %swap3A_77 = vector.shape_cast %swap3A_76 : vector<1x16xf32> to vector<16xf32>
      %swap3A_78 = vector.shape_cast %broadcast_in_dim3A_73 : vector<16xf32> to vector<1x16xf32>
      tpu.vector_store %arg9[%swap3A_74, %swap3A_75], %swap3A_78 {strides = array<i32>} : memref<48x128xf32, #tpu.memory_space<vmem>>, vector<1x16xf32>,
      %broadcast_in_dim3A_79 = arith.constant 0.000000e+00 : f32
      %broadcast_in_dim3A_80 = vector.broadcast %broadcast_in_dim3A_79 : f32 to vector<16xf32>
      %swap3A_81 = arith.index_cast %scan3A_64 : i32 to index
      %swap3A_82 = arith.constant 32 : index
      %swap3A_83 = tpu.vector_load %arg9[%swap3A_81, %swap3A_82] {strides = array<i32>} : memref<48x128xf32, #tpu.memory_space<vmem>>, vector<1x16xf32>,
      %swap3A_84 = vector.shape_cast %swap3A_83 : vector<1x16xf32> to vector<16xf32>
      %swap3A_85 = vector.shape_cast %broadcast_in_dim3A_80 : vector<16xf32> to vector<1x16xf32>
      tpu.vector_store %arg9[%swap3A_81, %swap3A_82], %swap3A_85 {strides = array<i32>} : memref<48x128xf32, #tpu.memory_space<vmem>>, vector<1x16xf32>,
      %broadcast_in_dim3A_86 = arith.constant 0.000000e+00 : f32
      %broadcast_in_dim3A_87 = vector.broadcast %broadcast_in_dim3A_86 : f32 to vector<16xf32>
      %swap3A_88 = arith.index_cast %scan3A_64 : i32 to index
      %swap3A_89 = arith.constant 48 : index
      %swap3A_90 = tpu.vector_load %arg9[%swap3A_88, %swap3A_89] {strides = array<i32>} : memref<48x128xf32, #tpu.memory_space<vmem>>, vector<1x16xf32>,
      %swap3A_91 = vector.shape_cast %swap3A_90 : vector<1x16xf32> to vector<16xf32>
      %swap3A_92 = vector.shape_cast %broadcast_in_dim3A_87 : vector<16xf32> to vector<1x16xf32>
      tpu.vector_store %arg9[%swap3A_88, %swap3A_89], %swap3A_92 {strides = array<i32>} : memref<48x128xf32, #tpu.memory_space<vmem>>, vector<1x16xf32>,
      %broadcast_in_dim3A_93 = arith.constant 0.000000e+00 : f32
      %broadcast_in_dim3A_94 = vector.broadcast %broadcast_in_dim3A_93 : f32 to vector<16xf32>
      %swap3A_95 = arith.index_cast %scan3A_64 : i32 to index
      %swap3A_96 = arith.constant 64 : index
      %swap3A_97 = tpu.vector_load %arg9[%swap3A_95, %swap3A_96] {strides = array<i32>} : memref<48x128xf32, #tpu.memory_space<vmem>>, vector<1x16xf32>,
      %swap3A_98 = vector.shape_cast %swap3A_97 : vector<1x16xf32> to vector<16xf32>
      %swap3A_99 = vector.shape_cast %broadcast_in_dim3A_94 : vector<16xf32> to vector<1x16xf32>
      tpu.vector_store %arg9[%swap3A_95, %swap3A_96], %swap3A_99 {strides = array<i32>} : memref<48x128xf32, #tpu.memory_space<vmem>>, vector<1x16xf32>,
      %broadcast_in_dim3A_100 = arith.constant 0.000000e+00 : f32
      %broadcast_in_dim3A_101 = vector.broadcast %broadcast_in_dim3A_100 : f32 to vector<16xf32>
      %swap3A_102 = arith.index_cast %scan3A_64 : i32 to index
      %swap3A_103 = arith.constant 80 : index
      %swap3A_104 = tpu.vector_load %arg9[%swap3A_102, %swap3A_103] {strides = array<i32>} : memref<48x128xf32, #tpu.memory_space<vmem>>, vector<1x16xf32>,
      %swap3A_105 = vector.shape_cast %swap3A_104 : vector<1x16xf32> to vector<16xf32>
      %swap3A_106 = vector.shape_cast %broadcast_in_dim3A_101 : vector<16xf32> to vector<1x16xf32>
      tpu.vector_store %arg9[%swap3A_102, %swap3A_103], %swap3A_106 {strides = array<i32>} : memref<48x128xf32, #tpu.memory_space<vmem>>, vector<1x16xf32>,
      %broadcast_in_dim3A_107 = arith.constant 0.000000e+00 : f32
      %broadcast_in_dim3A_108 = vector.broadcast %broadcast_in_dim3A_107 : f32 to vector<16xf32>
      %swap3A_109 = arith.index_cast %scan3A_64 : i32 to index
      %swap3A_110 = arith.constant 96 : index
      %swap3A_111 = tpu.vector_load %arg9[%swap3A_109, %swap3A_110] {strides = array<i32>} : memref<48x128xf32, #tpu.memory_space<vmem>>, vector<1x16xf32>,
      %swap3A_112 = vector.shape_cast %swap3A_111 : vector<1x16xf32> to vector<16xf32>
      %swap3A_113 = vector.shape_cast %broadcast_in_dim3A_108 : vector<16xf32> to vector<1x16xf32>
      tpu.vector_store %arg9[%swap3A_109, %swap3A_110], %swap3A_113 {strides = array<i32>} : memref<48x128xf32, #tpu.memory_space<vmem>>, vector<1x16xf32>,
      %broadcast_in_dim3A_114 = arith.constant 0.000000e+00 : f32
      %broadcast_in_dim3A_115 = vector.broadcast %broadcast_in_dim3A_114 : f32 to vector<16xf32>
      %swap3A_116 = arith.index_cast %scan3A_64 : i32 to index
      %swap3A_117 = arith.constant 112 : index
      %swap3A_118 = tpu.vector_load %arg9[%swap3A_116, %swap3A_117] {strides = array<i32>} : memref<48x128xf32, #tpu.memory_space<vmem>>, vector<1x16xf32>,
      %swap3A_119 = vector.shape_cast %swap3A_118 : vector<1x16xf32> to vector<16xf32>
      %swap3A_120 = vector.shape_cast %broadcast_in_dim3A_115 : vector<16xf32> to vector<1x16xf32>
      tpu.vector_store %arg9[%swap3A_116, %swap3A_117], %swap3A_120 {strides = array<i32>} : memref<48x128xf32, #tpu.memory_space<vmem>>, vector<1x16xf32>,
      %scan3A_121 = arith.constant 0 : i32
      scf.yield %scan3A_121 : i32
    }
    %scan3A_10 = arith.constant 48 : i32
    %scan3A_11 = arith.constant 0 : i32
    %scan3A_12 = arith.constant 0 : i32
    %scan3A_13 = arith.constant 16 : i32
    %scan3A_14 = arith.addi %scan3A_12, %scan3A_13 : i32
    %scan3A_15 = arith.constant 1 : i32
    %scan3A_16 = scf.for %scan3A_64 = %scan3A_12 to %scan3A_14 step %scan3A_15 iter_args(%scan3A_65 = %scan3A_11) -> (i32)  : i32 {
      %mul3A_66 = arith.constant 640 : i32
      %mul3A_67 = arith.muli %arg1, %mul3A_66 : i32
      %mul3A_68 = arith.constant 40 : i32
      %mul3A_69 = arith.muli %scan3A_64, %mul3A_68 : i32
      %add3A_70 = arith.addi %mul3A_67, %mul3A_69 : i32
      "tpu.region"() ({
        %run_scoped3A = tpu.sem_alloc : memref<!tpu.dma_semaphore, #tpu.memory_space<semaphore_mem>>
        %dma_start3A_72 = arith.constant 0 : i32
        %dma_start3A_73 = arith.constant 0 : i32
        %dma_start3A_74 = tpu.memref_slice %arg9[%dma_start3A_72, %dma_start3A_73] : memref<48x128xf32, #tpu.memory_space<vmem>> -> memref<40x128xf32, #tpu.memory_space<vmem>>
        %dma_start3A_75 = arith.constant 0 : i32
        %dma_start3A_76 = tpu.memref_slice %arg15[%add3A_70, %dma_start3A_75] : memref<10240x128xf32, #tpu.memory_space<vmem_shared>> -> memref<40x128xf32, #tpu.memory_space<vmem_shared>>
        %dma_start3A_77 = arith.constant 0 : i32
        %dma_start3A_78 = tpu.memref_slice %arg15[%add3A_70, %dma_start3A_77] : memref<10240x128xf32, #tpu.memory_space<vmem_shared>> -> memref<40x128xf32, #tpu.memory_space<vmem_shared>>
        %dma_start3A_79 = arith.constant 0 : i32
        %dma_start3A_80 = arith.constant 0 : i32
        %dma_start3A_81 = tpu.memref_slice %arg9[%dma_start3A_79, %dma_start3A_80] : memref<48x128xf32, #tpu.memory_space<vmem>> -> memref<40x128xf32, #tpu.memory_space<vmem>>
        tpu.enqueue_dma source(%dma_start3A_81 : memref<40x128xf32, #tpu.memory_space<vmem>>) target(%dma_start3A_78 : memref<40x128xf32, #tpu.memory_space<vmem_shared>>) target_semaphore(%run_scoped3A : memref<!tpu.dma_semaphore, #tpu.memory_space<semaphore_mem>>)
        %dma_wait3A = arith.constant 0 : i32
        %dma_wait3A_82 = arith.constant 0 : i32
        %dma_wait3A_83 = tpu.memref_slice %arg9[%dma_wait3A, %dma_wait3A_82] : memref<48x128xf32, #tpu.memory_space<vmem>> -> memref<40x128xf32, #tpu.memory_space<vmem>>
        %dma_wait3A_84 = arith.constant 0 : i32
        %dma_wait3A_85 = tpu.memref_slice %arg15[%add3A_70, %dma_wait3A_84] : memref<10240x128xf32, #tpu.memory_space<vmem_shared>> -> memref<40x128xf32, #tpu.memory_space<vmem_shared>>
        %dma_wait3A_86 = arith.constant 0 : i32
        %dma_wait3A_87 = tpu.memref_slice %arg15[%add3A_70, %dma_wait3A_86] : memref<10240x128xf32, #tpu.memory_space<vmem_shared>> -> memref<40x128xf32, #tpu.memory_space<vmem_shared>>
        %dma_wait3A_88 = arith.constant 0 : i32
        %dma_wait3A_89 = arith.constant 0 : i32
        %dma_wait3A_90 = tpu.memref_slice %arg9[%dma_wait3A_88, %dma_wait3A_89] : memref<48x128xf32, #tpu.memory_space<vmem>> -> memref<40x128xf32, #tpu.memory_space<vmem>>
        tpu.wait_dma2 semaphore(%run_scoped3A : memref<!tpu.dma_semaphore, #tpu.memory_space<semaphore_mem>>) src(%dma_wait3A_90 : memref<40x128xf32, #tpu.memory_space<vmem>>) dst(%dma_wait3A_87 : memref<40x128xf32, #tpu.memory_space<vmem_shared>>)
        tpu.yield
      }) : () -> ()
      %scan3A_71 = arith.constant 0 : i32
      scf.yield %scan3A_71 : i32
    }
    %scan3A_17 = arith.constant 16 : i32
    %barrier3A = arith.constant 0 : index
    tpu.barrier barrier_id(%barrier3A)
    %get3A = arith.constant 0 : index
    %get3A_18 = tpu.vector_load %arg8[%get3A] {strides = array<i32>} : memref<10032xi32, #tpu.memory_space<vmem>>, vector<16xi32>,
    %get3A_19 = vector.shape_cast %get3A_18 : vector<16xi32> to vector<16xi32>
    %swap3A = arith.constant 0 : index
    %swap3A_20 = tpu.vector_load %arg13[%swap3A] {strides = array<i32>} : memref<48xi32, #tpu.memory_space<vmem>>, vector<16xi32>,
    %swap3A_21 = vector.shape_cast %swap3A_20 : vector<16xi32> to vector<16xi32>
    %swap3A_22 = vector.shape_cast %get3A_19 : vector<16xi32> to vector<16xi32>
    tpu.vector_store %arg13[%swap3A], %swap3A_22 {strides = array<i32>} : memref<48xi32, #tpu.memory_space<vmem>>, vector<16xi32>,
    %get3A_23 = arith.constant 16 : index
    %get3A_24 = tpu.vector_load %arg8[%get3A_23] {strides = array<i32>} : memref<10032xi32, #tpu.memory_space<vmem>>, vector<16xi32>,
    %get3A_25 = vector.shape_cast %get3A_24 : vector<16xi32> to vector<16xi32>
    %swap3A_26 = arith.constant 16 : index
    %swap3A_27 = tpu.vector_load %arg13[%swap3A_26] {strides = array<i32>} : memref<48xi32, #tpu.memory_space<vmem>>, vector<16xi32>,
    %swap3A_28 = vector.shape_cast %swap3A_27 : vector<16xi32> to vector<16xi32>
    %swap3A_29 = vector.shape_cast %get3A_25 : vector<16xi32> to vector<16xi32>
    tpu.vector_store %arg13[%swap3A_26], %swap3A_29 {strides = array<i32>} : memref<48xi32, #tpu.memory_space<vmem>>, vector<16xi32>,
    %get3A_30 = arith.constant 32 : index
    %get3A_31 = tpu.vector_load %arg8[%get3A_30] {strides = array<i32>} : memref<10032xi32, #tpu.memory_space<vmem>>, vector<16xi32>,
    %get3A_32 = vector.shape_cast %get3A_31 : vector<16xi32> to vector<16xi32>
    %swap3A_33 = arith.constant 32 : index
    %swap3A_34 = tpu.vector_load %arg13[%swap3A_33] {strides = array<i32>} : memref<48xi32, #tpu.memory_space<vmem>>, vector<16xi32>,
    %swap3A_35 = vector.shape_cast %swap3A_34 : vector<16xi32> to vector<16xi32>
    %swap3A_36 = vector.shape_cast %get3A_32 : vector<16xi32> to vector<16xi32>
    tpu.vector_store %arg13[%swap3A_33], %swap3A_36 {strides = array<i32>} : memref<48xi32, #tpu.memory_space<vmem>>, vector<16xi32>,
    %dma_start3A = arith.constant 0 : i32
    %dma_start3A_37 = tpu.memref_slice %arg7[%dma_start3A] : memref<10032xi32, #tpu.memory_space<vmem>> -> memref<48xi32, #tpu.memory_space<vmem>>
    %dma_start3A_38 = arith.constant 0 : i32
    %dma_start3A_39 = arith.constant 0 : i32
    %dma_start3A_40 = tpu.memref_slice %arg2[%dma_start3A_38, %dma_start3A_39] : memref<10000x128xf32, #tpu.memory_space<hbm>> -> memref<10000x128xf32, #tpu.memory_space<hbm>>
    tpu.enqueue_indirect_dma source(%dma_start3A_40 : memref<10000x128xf32, #tpu.memory_space<hbm>>) target(%arg9 : memref<48x128xf32, #tpu.memory_space<vmem>>) offsets(%dma_start3A_37 : memref<48xi32, #tpu.memory_space<vmem>>) semaphore(%arg16 : memref<!tpu.dma_semaphore, #tpu.memory_space<semaphore_mem>>)
    %mul3A_41 = arith.constant 10032 : i32
    %mul3A_42 = arith.muli %add3A, %mul3A_41 : i32
    %add3A_43 = arith.constant 0 : i32
    %add3A_44 = arith.addi %mul3A_42, %add3A_43 : i32
    %dma_start3A_45 = arith.constant 0 : i32
    %dma_start3A_46 = tpu.memref_slice %arg3[%add3A_44, %dma_start3A_45] : memref<321024x128xf32, #tpu.memory_space<hbm>> -> memref<48x128xf32, #tpu.memory_space<hbm>>
    %dma_start3A_47 = arith.constant 0 : i32
    %dma_start3A_48 = tpu.memref_slice %arg3[%add3A_44, %dma_start3A_47] : memref<321024x128xf32, #tpu.memory_space<hbm>> -> memref<48x128xf32, #tpu.memory_space<hbm>>
    tpu.enqueue_dma source(%dma_start3A_48 : memref<48x128xf32, #tpu.memory_space<hbm>>) target(%arg11 : memref<48x128xf32, #tpu.memory_space<vmem>>) target_semaphore(%arg18 : memref<!tpu.dma_semaphore, #tpu.memory_space<semaphore_mem>>)
    %scan3A_49 = arith.constant 0 : i32
    %scan3A_50 = arith.constant 0 : i32
    %scan3A_51 = arith.constant 105 : i32
    %scan3A_52 = arith.addi %scan3A_50, %scan3A_51 : i32
    %scan3A_53 = arith.constant 1 : i32
    %scan3A_54 = scf.for %scan3A_64 = %scan3A_50 to %scan3A_52 step %scan3A_53 iter_args(%scan3A_65 = %scan3A_49) -> (i32)  : i32 {
      %mul3A_66 = arith.constant 2 : i32
      %mul3A_67 = arith.muli %scan3A_64, %mul3A_66 : i32
      %add3A_68 = arith.constant 1 : i32
      %add3A_69 = arith.addi %mul3A_67, %add3A_68 : i32
      %lt3A = arith.constant 209 : i32
      %lt3A_70 = arith.cmpi slt, %add3A_69, %lt3A : i32
      %convert_element_type3A = arith.extui %lt3A_70 : i1 to i32
      %cond3A = arith.constant 0 : i32
      %cond3A_71 = arith.cmpi ne, %convert_element_type3A, %cond3A : i32
      scf.if %cond3A_71 {
        %mul3A_103 = arith.constant 48 : i32
        %mul3A_104 = arith.muli %add3A_69, %mul3A_103 : i32
        %add3A_105 = arith.constant 0 : i32
        %add3A_106 = arith.addi %mul3A_104, %add3A_105 : i32
        %get3A_107 = arith.index_cast %add3A_106 : i32 to index
        %get3A_108 = tpu.vector_load %arg8[%get3A_107] {strides = array<i32>} : memref<10032xi32, #tpu.memory_space<vmem>>, vector<16xi32>,
        %get3A_109 = vector.shape_cast %get3A_108 : vector<16xi32> to vector<16xi32>
        %swap3A_110 = arith.constant 0 : index
        %swap3A_111 = tpu.vector_load %arg14[%swap3A_110] {strides = array<i32>} : memref<48xi32, #tpu.memory_space<vmem>>, vector<16xi32>,
        %swap3A_112 = vector.shape_cast %swap3A_111 : vector<16xi32> to vector<16xi32>
        %swap3A_113 = vector.shape_cast %get3A_109 : vector<16xi32> to vector<16xi32>
        tpu.vector_store %arg14[%swap3A_110], %swap3A_113 {strides = array<i32>} : memref<48xi32, #tpu.memory_space<vmem>>, vector<16xi32>,
        %mul3A_114 = arith.constant 48 : i32
        %mul3A_115 = arith.muli %add3A_69, %mul3A_114 : i32
        %add3A_116 = arith.constant 16 : i32
        %add3A_117 = arith.addi %mul3A_115, %add3A_116 : i32
        %get3A_118 = arith.index_cast %add3A_117 : i32 to index
        %get3A_119 = tpu.vector_load %arg8[%get3A_118] {strides = array<i32>} : memref<10032xi32, #tpu.memory_space<vmem>>, vector<16xi32>,
        %get3A_120 = vector.shape_cast %get3A_119 : vector<16xi32> to vector<16xi32>
        %swap3A_121 = arith.constant 16 : index
        %swap3A_122 = tpu.vector_load %arg14[%swap3A_121] {strides = array<i32>} : memref<48xi32, #tpu.memory_space<vmem>>, vector<16xi32>,
        %swap3A_123 = vector.shape_cast %swap3A_122 : vector<16xi32> to vector<16xi32>
        %swap3A_124 = vector.shape_cast %get3A_120 : vector<16xi32> to vector<16xi32>
        tpu.vector_store %arg14[%swap3A_121], %swap3A_124 {strides = array<i32>} : memref<48xi32, #tpu.memory_space<vmem>>, vector<16xi32>,
        %mul3A_125 = arith.constant 48 : i32
        %mul3A_126 = arith.muli %add3A_69, %mul3A_125 : i32
        %add3A_127 = arith.constant 32 : i32
        %add3A_128 = arith.addi %mul3A_126, %add3A_127 : i32
        %get3A_129 = arith.index_cast %add3A_128 : i32 to index
        %get3A_130 = tpu.vector_load %arg8[%get3A_129] {strides = array<i32>} : memref<10032xi32, #tpu.memory_space<vmem>>, vector<16xi32>,
        %get3A_131 = vector.shape_cast %get3A_130 : vector<16xi32> to vector<16xi32>
        %swap3A_132 = arith.constant 32 : index
        %swap3A_133 = tpu.vector_load %arg14[%swap3A_132] {strides = array<i32>} : memref<48xi32, #tpu.memory_space<vmem>>, vector<16xi32>,
        %swap3A_134 = vector.shape_cast %swap3A_133 : vector<16xi32> to vector<16xi32>
        %swap3A_135 = vector.shape_cast %get3A_131 : vector<16xi32> to vector<16xi32>
        tpu.vector_store %arg14[%swap3A_132], %swap3A_135 {strides = array<i32>} : memref<48xi32, #tpu.memory_space<vmem>>, vector<16xi32>,
        %mul3A_136 = arith.constant 48 : i32
        %mul3A_137 = arith.muli %add3A_69, %mul3A_136 : i32
        %dma_start3A_138 = tpu.memref_slice %arg7[%mul3A_137] : memref<10032xi32, #tpu.memory_space<vmem>> -> memref<48xi32, #tpu.memory_space<vmem>>
        %dma_start3A_139 = arith.constant 0 : i32
        %dma_start3A_140 = arith.constant 0 : i32
        %dma_start3A_141 = tpu.memref_slice %arg2[%dma_start3A_139, %dma_start3A_140] : memref<10000x128xf32, #tpu.memory_space<hbm>> -> memref<10000x128xf32, #tpu.memory_space<hbm>>
        tpu.enqueue_indirect_dma source(%dma_start3A_141 : memref<10000x128xf32, #tpu.memory_space<hbm>>) target(%arg10 : memref<48x128xf32, #tpu.memory_space<vmem>>) offsets(%dma_start3A_138 : memref<48xi32, #tpu.memory_space<vmem>>) semaphore(%arg17 : memref<!tpu.dma_semaphore, #tpu.memory_space<semaphore_mem>>)
        %mul3A_142 = arith.constant 10032 : i32
        %mul3A_143 = arith.muli %add3A, %mul3A_142 : i32
        %mul3A_144 = arith.constant 48 : i32
        %mul3A_145 = arith.muli %add3A_69, %mul3A_144 : i32
        %add3A_146 = arith.addi %mul3A_143, %mul3A_145 : i32
        %dma_start3A_147 = arith.constant 0 : i32
        %dma_start3A_148 = tpu.memref_slice %arg3[%add3A_146, %dma_start3A_147] : memref<321024x128xf32, #tpu.memory_space<hbm>> -> memref<48x128xf32, #tpu.memory_space<hbm>>
        %dma_start3A_149 = arith.constant 0 : i32
        %dma_start3A_150 = tpu.memref_slice %arg3[%add3A_146, %dma_start3A_149] : memref<321024x128xf32, #tpu.memory_space<hbm>> -> memref<48x128xf32, #tpu.memory_space<hbm>>
        tpu.enqueue_dma source(%dma_start3A_150 : memref<48x128xf32, #tpu.memory_space<hbm>>) target(%arg12 : memref<48x128xf32, #tpu.memory_space<vmem>>) target_semaphore(%arg19 : memref<!tpu.dma_semaphore, #tpu.memory_space<semaphore_mem>>)
      } else {
      }
      %mul3A_72 = arith.constant 48 : i32
      %mul3A_73 = arith.muli %mul3A_67, %mul3A_72 : i32
      %dma_wait3A = tpu.memref_slice %arg7[%mul3A_73] : memref<10032xi32, #tpu.memory_space<vmem>> -> memref<48xi32, #tpu.memory_space<vmem>>
      %dma_wait3A_74 = arith.constant 0 : i32
      %dma_wait3A_75 = arith.constant 0 : i32
      %dma_wait3A_76 = tpu.memref_slice %arg2[%dma_wait3A_74, %dma_wait3A_75] : memref<10000x128xf32, #tpu.memory_space<hbm>> -> memref<10000x128xf32, #tpu.memory_space<hbm>>
      tpu.wait_indirect_dma semaphore(%arg16 : memref<!tpu.dma_semaphore, #tpu.memory_space<semaphore_mem>>) src(%dma_wait3A_76 : memref<10000x128xf32, #tpu.memory_space<hbm>>) dst(%arg9 : memref<48x128xf32, #tpu.memory_space<vmem>>)
      %dma_wait3A_77 = arith.constant 0 : i32
      %dma_wait3A_78 = arith.constant 0 : i32
      %dma_wait3A_79 = tpu.memref_slice %arg3[%dma_wait3A_77, %dma_wait3A_78] : memref<321024x128xf32, #tpu.memory_space<hbm>> -> memref<48x128xf32, #tpu.memory_space<hbm>>
      %dma_wait3A_80 = arith.constant 0 : i32
      %dma_wait3A_81 = arith.constant 0 : i32
      %dma_wait3A_82 = tpu.memref_slice %arg3[%dma_wait3A_80, %dma_wait3A_81] : memref<321024x128xf32, #tpu.memory_space<hbm>> -> memref<48x128xf32, #tpu.memory_space<hbm>>
      tpu.wait_dma2 semaphore(%arg18 : memref<!tpu.dma_semaphore, #tpu.memory_space<semaphore_mem>>) src(%dma_wait3A_82 : memref<48x128xf32, #tpu.memory_space<hbm>>) dst(%arg11 : memref<48x128xf32, #tpu.memory_space<vmem>>)
      %scan3A_83 = arith.constant 0 : i32
      %scan3A_84 = arith.constant 0 : i32
      %scan3A_85 = arith.constant 12 : i32
      %scan3A_86 = arith.addi %scan3A_84, %scan3A_85 : i32
      %scan3A_87 = arith.constant 1 : i32
      %scan3A_88 = scf.for %scan3A_103 = %scan3A_84 to %scan3A_86 step %scan3A_87 iter_args(%scan3A_104 = %scan3A_83) -> (i32)  : i32 {
        %mul3A_105 = arith.constant 4 : i32
        %mul3A_106 = arith.muli %scan3A_103, %mul3A_105 : i32
        %add3A_107 = arith.constant 0 : i32
        %add3A_108 = arith.addi %mul3A_106, %add3A_107 : i32
        %get3A_109 = arith.index_cast %add3A_108 : i32 to index
        %get3A_110 = arith.constant 0 : index
        %get3A_111 = tpu.vector_load %arg9[%get3A_109, %get3A_110] {strides = array<i32>} : memref<48x128xf32, #tpu.memory_space<vmem>>, vector<1x16xf32>,
        %get3A_112 = vector.shape_cast %get3A_111 : vector<1x16xf32> to vector<16xf32>
        %get3A_113 = arith.index_cast %add3A_108 : i32 to index
        %get3A_114 = arith.constant 0 : index
        %get3A_115 = tpu.vector_load %arg11[%get3A_113, %get3A_114] {strides = array<i32>} : memref<48x128xf32, #tpu.memory_space<vmem>>, vector<1x16xf32>,
        %get3A_116 = vector.shape_cast %get3A_115 : vector<1x16xf32> to vector<16xf32>
        %add3A_117 = arith.addf %get3A_112, %get3A_116 : vector<16xf32>
        %max3A = arith.constant 0.000000e+00 : f32
        %max3A_118 = vector.broadcast %max3A : f32 to vector<16xf32>
        %max3A_119 = arith.maximumf %add3A_117, %max3A_118 : vector<16xf32>
        %swap3A_120 = arith.index_cast %add3A_108 : i32 to index
        %swap3A_121 = arith.constant 0 : index
        %swap3A_122 = tpu.vector_load %arg9[%swap3A_120, %swap3A_121] {strides = array<i32>} : memref<48x128xf32, #tpu.memory_space<vmem>>, vector<1x16xf32>,
        %swap3A_123 = vector.shape_cast %swap3A_122 : vector<1x16xf32> to vector<16xf32>
        %swap3A_124 = vector.shape_cast %max3A_119 : vector<16xf32> to vector<1x16xf32>
        tpu.vector_store %arg9[%swap3A_120, %swap3A_121], %swap3A_124 {strides = array<i32>} : memref<48x128xf32, #tpu.memory_space<vmem>>, vector<1x16xf32>,
        %get3A_125 = arith.index_cast %add3A_108 : i32 to index
        %get3A_126 = arith.constant 16 : index
        %get3A_127 = tpu.vector_load %arg9[%get3A_125, %get3A_126] {strides = array<i32>} : memref<48x128xf32, #tpu.memory_space<vmem>>, vector<1x16xf32>,
        %get3A_128 = vector.shape_cast %get3A_127 : vector<1x16xf32> to vector<16xf32>
        %get3A_129 = arith.index_cast %add3A_108 : i32 to index
        %get3A_130 = arith.constant 16 : index
        %get3A_131 = tpu.vector_load %arg11[%get3A_129, %get3A_130] {strides = array<i32>} : memref<48x128xf32, #tpu.memory_space<vmem>>, vector<1x16xf32>,
        %get3A_132 = vector.shape_cast %get3A_131 : vector<1x16xf32> to vector<16xf32>
        %add3A_133 = arith.addf %get3A_128, %get3A_132 : vector<16xf32>
        %max3A_134 = arith.constant 0.000000e+00 : f32
        %max3A_135 = vector.broadcast %max3A_134 : f32 to vector<16xf32>
        %max3A_136 = arith.maximumf %add3A_133, %max3A_135 : vector<16xf32>
        %swap3A_137 = arith.index_cast %add3A_108 : i32 to index
        %swap3A_138 = arith.constant 16 : index
        %swap3A_139 = tpu.vector_load %arg9[%swap3A_137, %swap3A_138] {strides = array<i32>} : memref<48x128xf32, #tpu.memory_space<vmem>>, vector<1x16xf32>,
        %swap3A_140 = vector.shape_cast %swap3A_139 : vector<1x16xf32> to vector<16xf32>
        %swap3A_141 = vector.shape_cast %max3A_136 : vector<16xf32> to vector<1x16xf32>
        tpu.vector_store %arg9[%swap3A_137, %swap3A_138], %swap3A_141 {strides = array<i32>} : memref<48x128xf32, #tpu.memory_space<vmem>>, vector<1x16xf32>,
        %get3A_142 = arith.index_cast %add3A_108 : i32 to index
        %get3A_143 = arith.constant 32 : index
        %get3A_144 = tpu.vector_load %arg9[%get3A_142, %get3A_143] {strides = array<i32>} : memref<48x128xf32, #tpu.memory_space<vmem>>, vector<1x16xf32>,
        %get3A_145 = vector.shape_cast %get3A_144 : vector<1x16xf32> to vector<16xf32>
        %get3A_146 = arith.index_cast %add3A_108 : i32 to index
        %get3A_147 = arith.constant 32 : index
        %get3A_148 = tpu.vector_load %arg11[%get3A_146, %get3A_147] {strides = array<i32>} : memref<48x128xf32, #tpu.memory_space<vmem>>, vector<1x16xf32>,
        %get3A_149 = vector.shape_cast %get3A_148 : vector<1x16xf32> to vector<16xf32>
        %add3A_150 = arith.addf %get3A_145, %get3A_149 : vector<16xf32>
        %max3A_151 = arith.constant 0.000000e+00 : f32
        %max3A_152 = vector.broadcast %max3A_151 : f32 to vector<16xf32>
        %max3A_153 = arith.maximumf %add3A_150, %max3A_152 : vector<16xf32>
        %swap3A_154 = arith.index_cast %add3A_108 : i32 to index
        %swap3A_155 = arith.constant 32 : index
        %swap3A_156 = tpu.vector_load %arg9[%swap3A_154, %swap3A_155] {strides = array<i32>} : memref<48x128xf32, #tpu.memory_space<vmem>>, vector<1x16xf32>,
        %swap3A_157 = vector.shape_cast %swap3A_156 : vector<1x16xf32> to vector<16xf32>
        %swap3A_158 = vector.shape_cast %max3A_153 : vector<16xf32> to vector<1x16xf32>
        tpu.vector_store %arg9[%swap3A_154, %swap3A_155], %swap3A_158 {strides = array<i32>} : memref<48x128xf32, #tpu.memory_space<vmem>>, vector<1x16xf32>,
        %get3A_159 = arith.index_cast %add3A_108 : i32 to index
        %get3A_160 = arith.constant 48 : index
        %get3A_161 = tpu.vector_load %arg9[%get3A_159, %get3A_160] {strides = array<i32>} : memref<48x128xf32, #tpu.memory_space<vmem>>, vector<1x16xf32>,
        %get3A_162 = vector.shape_cast %get3A_161 : vector<1x16xf32> to vector<16xf32>
        %get3A_163 = arith.index_cast %add3A_108 : i32 to index
        %get3A_164 = arith.constant 48 : index
        %get3A_165 = tpu.vector_load %arg11[%get3A_163, %get3A_164] {strides = array<i32>} : memref<48x128xf32, #tpu.memory_space<vmem>>, vector<1x16xf32>,
        %get3A_166 = vector.shape_cast %get3A_165 : vector<1x16xf32> to vector<16xf32>
        %add3A_167 = arith.addf %get3A_162, %get3A_166 : vector<16xf32>
        %max3A_168 = arith.constant 0.000000e+00 : f32
        %max3A_169 = vector.broadcast %max3A_168 : f32 to vector<16xf32>
        %max3A_170 = arith.maximumf %add3A_167, %max3A_169 : vector<16xf32>
        %swap3A_171 = arith.index_cast %add3A_108 : i32 to index
        %swap3A_172 = arith.constant 48 : index
        %swap3A_173 = tpu.vector_load %arg9[%swap3A_171, %swap3A_172] {strides = array<i32>} : memref<48x128xf32, #tpu.memory_space<vmem>>, vector<1x16xf32>,
        %swap3A_174 = vector.shape_cast %swap3A_173 : vector<1x16xf32> to vector<16xf32>
        %swap3A_175 = vector.shape_cast %max3A_170 : vector<16xf32> to vector<1x16xf32>
        tpu.vector_store %arg9[%swap3A_171, %swap3A_172], %swap3A_175 {strides = array<i32>} : memref<48x128xf32, #tpu.memory_space<vmem>>, vector<1x16xf32>,
        %get3A_176 = arith.index_cast %add3A_108 : i32 to index
        %get3A_177 = arith.constant 64 : index
        %get3A_178 = tpu.vector_load %arg9[%get3A_176, %get3A_177] {strides = array<i32>} : memref<48x128xf32, #tpu.memory_space<vmem>>, vector<1x16xf32>,
        %get3A_179 = vector.shape_cast %get3A_178 : vector<1x16xf32> to vector<16xf32>
        %get3A_180 = arith.index_cast %add3A_108 : i32 to index
        %get3A_181 = arith.constant 64 : index
        %get3A_182 = tpu.vector_load %arg11[%get3A_180, %get3A_181] {strides = array<i32>} : memref<48x128xf32, #tpu.memory_space<vmem>>, vector<1x16xf32>,
        %get3A_183 = vector.shape_cast %get3A_182 : vector<1x16xf32> to vector<16xf32>
        %add3A_184 = arith.addf %get3A_179, %get3A_183 : vector<16xf32>
        %max3A_185 = arith.constant 0.000000e+00 : f32
        %max3A_186 = vector.broadcast %max3A_185 : f32 to vector<16xf32>
        %max3A_187 = arith.maximumf %add3A_184, %max3A_186 : vector<16xf32>
        %swap3A_188 = arith.index_cast %add3A_108 : i32 to index
        %swap3A_189 = arith.constant 64 : index
        %swap3A_190 = tpu.vector_load %arg9[%swap3A_188, %swap3A_189] {strides = array<i32>} : memref<48x128xf32, #tpu.memory_space<vmem>>, vector<1x16xf32>,
        %swap3A_191 = vector.shape_cast %swap3A_190 : vector<1x16xf32> to vector<16xf32>
        %swap3A_192 = vector.shape_cast %max3A_187 : vector<16xf32> to vector<1x16xf32>
        tpu.vector_store %arg9[%swap3A_188, %swap3A_189], %swap3A_192 {strides = array<i32>} : memref<48x128xf32, #tpu.memory_space<vmem>>, vector<1x16xf32>,
        %get3A_193 = arith.index_cast %add3A_108 : i32 to index
        %get3A_194 = arith.constant 80 : index
        %get3A_195 = tpu.vector_load %arg9[%get3A_193, %get3A_194] {strides = array<i32>} : memref<48x128xf32, #tpu.memory_space<vmem>>, vector<1x16xf32>,
        %get3A_196 = vector.shape_cast %get3A_195 : vector<1x16xf32> to vector<16xf32>
        %get3A_197 = arith.index_cast %add3A_108 : i32 to index
        %get3A_198 = arith.constant 80 : index
        %get3A_199 = tpu.vector_load %arg11[%get3A_197, %get3A_198] {strides = array<i32>} : memref<48x128xf32, #tpu.memory_space<vmem>>, vector<1x16xf32>,
        %get3A_200 = vector.shape_cast %get3A_199 : vector<1x16xf32> to vector<16xf32>
        %add3A_201 = arith.addf %get3A_196, %get3A_200 : vector<16xf32>
        %max3A_202 = arith.constant 0.000000e+00 : f32
        %max3A_203 = vector.broadcast %max3A_202 : f32 to vector<16xf32>
        %max3A_204 = arith.maximumf %add3A_201, %max3A_203 : vector<16xf32>
        %swap3A_205 = arith.index_cast %add3A_108 : i32 to index
        %swap3A_206 = arith.constant 80 : index
        %swap3A_207 = tpu.vector_load %arg9[%swap3A_205, %swap3A_206] {strides = array<i32>} : memref<48x128xf32, #tpu.memory_space<vmem>>, vector<1x16xf32>,
        %swap3A_208 = vector.shape_cast %swap3A_207 : vector<1x16xf32> to vector<16xf32>
        %swap3A_209 = vector.shape_cast %max3A_204 : vector<16xf32> to vector<1x16xf32>
        tpu.vector_store %arg9[%swap3A_205, %swap3A_206], %swap3A_209 {strides = array<i32>} : memref<48x128xf32, #tpu.memory_space<vmem>>, vector<1x16xf32>,
        %get3A_210 = arith.index_cast %add3A_108 : i32 to index
        %get3A_211 = arith.constant 96 : index
        %get3A_212 = tpu.vector_load %arg9[%get3A_210, %get3A_211] {strides = array<i32>} : memref<48x128xf32, #tpu.memory_space<vmem>>, vector<1x16xf32>,
        %get3A_213 = vector.shape_cast %get3A_212 : vector<1x16xf32> to vector<16xf32>
        %get3A_214 = arith.index_cast %add3A_108 : i32 to index
        %get3A_215 = arith.constant 96 : index
        %get3A_216 = tpu.vector_load %arg11[%get3A_214, %get3A_215] {strides = array<i32>} : memref<48x128xf32, #tpu.memory_space<vmem>>, vector<1x16xf32>,
        %get3A_217 = vector.shape_cast %get3A_216 : vector<1x16xf32> to vector<16xf32>
        %add3A_218 = arith.addf %get3A_213, %get3A_217 : vector<16xf32>
        %max3A_219 = arith.constant 0.000000e+00 : f32
        %max3A_220 = vector.broadcast %max3A_219 : f32 to vector<16xf32>
        %max3A_221 = arith.maximumf %add3A_218, %max3A_220 : vector<16xf32>
        %swap3A_222 = arith.index_cast %add3A_108 : i32 to index
        %swap3A_223 = arith.constant 96 : index
        %swap3A_224 = tpu.vector_load %arg9[%swap3A_222, %swap3A_223] {strides = array<i32>} : memref<48x128xf32, #tpu.memory_space<vmem>>, vector<1x16xf32>,
        %swap3A_225 = vector.shape_cast %swap3A_224 : vector<1x16xf32> to vector<16xf32>
        %swap3A_226 = vector.shape_cast %max3A_221 : vector<16xf32> to vector<1x16xf32>
        tpu.vector_store %arg9[%swap3A_222, %swap3A_223], %swap3A_226 {strides = array<i32>} : memref<48x128xf32, #tpu.memory_space<vmem>>, vector<1x16xf32>,
        %get3A_227 = arith.index_cast %add3A_108 : i32 to index
        %get3A_228 = arith.constant 112 : index
        %get3A_229 = tpu.vector_load %arg9[%get3A_227, %get3A_228] {strides = array<i32>} : memref<48x128xf32, #tpu.memory_space<vmem>>, vector<1x16xf32>,
        %get3A_230 = vector.shape_cast %get3A_229 : vector<1x16xf32> to vector<16xf32>
        %get3A_231 = arith.index_cast %add3A_108 : i32 to index
        %get3A_232 = arith.constant 112 : index
        %get3A_233 = tpu.vector_load %arg11[%get3A_231, %get3A_232] {strides = array<i32>} : memref<48x128xf32, #tpu.memory_space<vmem>>, vector<1x16xf32>,
        %get3A_234 = vector.shape_cast %get3A_233 : vector<1x16xf32> to vector<16xf32>
        %add3A_235 = arith.addf %get3A_230, %get3A_234 : vector<16xf32>
        %max3A_236 = arith.constant 0.000000e+00 : f32
        %max3A_237 = vector.broadcast %max3A_236 : f32 to vector<16xf32>
        %max3A_238 = arith.maximumf %add3A_235, %max3A_237 : vector<16xf32>
        %swap3A_239 = arith.index_cast %add3A_108 : i32 to index
        %swap3A_240 = arith.constant 112 : index
        %swap3A_241 = tpu.vector_load %arg9[%swap3A_239, %swap3A_240] {strides = array<i32>} : memref<48x128xf32, #tpu.memory_space<vmem>>, vector<1x16xf32>,
        %swap3A_242 = vector.shape_cast %swap3A_241 : vector<1x16xf32> to vector<16xf32>
        %swap3A_243 = vector.shape_cast %max3A_238 : vector<16xf32> to vector<1x16xf32>
        tpu.vector_store %arg9[%swap3A_239, %swap3A_240], %swap3A_243 {strides = array<i32>} : memref<48x128xf32, #tpu.memory_space<vmem>>, vector<1x16xf32>,
        %mul3A_244 = arith.constant 4 : i32
        %mul3A_245 = arith.muli %scan3A_103, %mul3A_244 : i32
        %add3A_246 = arith.constant 1 : i32
        %add3A_247 = arith.addi %mul3A_245, %add3A_246 : i32
        %get3A_248 = arith.index_cast %add3A_247 : i32 to index
        %get3A_249 = arith.constant 0 : index
        %get3A_250 = tpu.vector_load %arg9[%get3A_248, %get3A_249] {strides = array<i32>} : memref<48x128xf32, #tpu.memory_space<vmem>>, vector<1x16xf32>,
        %get3A_251 = vector.shape_cast %get3A_250 : vector<1x16xf32> to vector<16xf32>
        %get3A_252 = arith.index_cast %add3A_247 : i32 to index
        %get3A_253 = arith.constant 0 : index
        %get3A_254 = tpu.vector_load %arg11[%get3A_252, %get3A_253] {strides = array<i32>} : memref<48x128xf32, #tpu.memory_space<vmem>>, vector<1x16xf32>,
        %get3A_255 = vector.shape_cast %get3A_254 : vector<1x16xf32> to vector<16xf32>
        %add3A_256 = arith.addf %get3A_251, %get3A_255 : vector<16xf32>
        %max3A_257 = arith.constant 0.000000e+00 : f32
        %max3A_258 = vector.broadcast %max3A_257 : f32 to vector<16xf32>
        %max3A_259 = arith.maximumf %add3A_256, %max3A_258 : vector<16xf32>
        %swap3A_260 = arith.index_cast %add3A_247 : i32 to index
        %swap3A_261 = arith.constant 0 : index
        %swap3A_262 = tpu.vector_load %arg9[%swap3A_260, %swap3A_261] {strides = array<i32>} : memref<48x128xf32, #tpu.memory_space<vmem>>, vector<1x16xf32>,
        %swap3A_263 = vector.shape_cast %swap3A_262 : vector<1x16xf32> to vector<16xf32>
        %swap3A_264 = vector.shape_cast %max3A_259 : vector<16xf32> to vector<1x16xf32>
        tpu.vector_store %arg9[%swap3A_260, %swap3A_261], %swap3A_264 {strides = array<i32>} : memref<48x128xf32, #tpu.memory_space<vmem>>, vector<1x16xf32>,
        %get3A_265 = arith.index_cast %add3A_247 : i32 to index
        %get3A_266 = arith.constant 16 : index
        %get3A_267 = tpu.vector_load %arg9[%get3A_265, %get3A_266] {strides = array<i32>} : memref<48x128xf32, #tpu.memory_space<vmem>>, vector<1x16xf32>,
        %get3A_268 = vector.shape_cast %get3A_267 : vector<1x16xf32> to vector<16xf32>
        %get3A_269 = arith.index_cast %add3A_247 : i32 to index
        %get3A_270 = arith.constant 16 : index
        %get3A_271 = tpu.vector_load %arg11[%get3A_269, %get3A_270] {strides = array<i32>} : memref<48x128xf32, #tpu.memory_space<vmem>>, vector<1x16xf32>,
        %get3A_272 = vector.shape_cast %get3A_271 : vector<1x16xf32> to vector<16xf32>
        %add3A_273 = arith.addf %get3A_268, %get3A_272 : vector<16xf32>
        %max3A_274 = arith.constant 0.000000e+00 : f32
        %max3A_275 = vector.broadcast %max3A_274 : f32 to vector<16xf32>
        %max3A_276 = arith.maximumf %add3A_273, %max3A_275 : vector<16xf32>
        %swap3A_277 = arith.index_cast %add3A_247 : i32 to index
        %swap3A_278 = arith.constant 16 : index
        %swap3A_279 = tpu.vector_load %arg9[%swap3A_277, %swap3A_278] {strides = array<i32>} : memref<48x128xf32, #tpu.memory_space<vmem>>, vector<1x16xf32>,
        %swap3A_280 = vector.shape_cast %swap3A_279 : vector<1x16xf32> to vector<16xf32>
        %swap3A_281 = vector.shape_cast %max3A_276 : vector<16xf32> to vector<1x16xf32>
        tpu.vector_store %arg9[%swap3A_277, %swap3A_278], %swap3A_281 {strides = array<i32>} : memref<48x128xf32, #tpu.memory_space<vmem>>, vector<1x16xf32>,
        %get3A_282 = arith.index_cast %add3A_247 : i32 to index
        %get3A_283 = arith.constant 32 : index
        %get3A_284 = tpu.vector_load %arg9[%get3A_282, %get3A_283] {strides = array<i32>} : memref<48x128xf32, #tpu.memory_space<vmem>>, vector<1x16xf32>,
        %get3A_285 = vector.shape_cast %get3A_284 : vector<1x16xf32> to vector<16xf32>
        %get3A_286 = arith.index_cast %add3A_247 : i32 to index
        %get3A_287 = arith.constant 32 : index
        %get3A_288 = tpu.vector_load %arg11[%get3A_286, %get3A_287] {strides = array<i32>} : memref<48x128xf32, #tpu.memory_space<vmem>>, vector<1x16xf32>,
        %get3A_289 = vector.shape_cast %get3A_288 : vector<1x16xf32> to vector<16xf32>
        %add3A_290 = arith.addf %get3A_285, %get3A_289 : vector<16xf32>
        %max3A_291 = arith.constant 0.000000e+00 : f32
        %max3A_292 = vector.broadcast %max3A_291 : f32 to vector<16xf32>
        %max3A_293 = arith.maximumf %add3A_290, %max3A_292 : vector<16xf32>
        %swap3A_294 = arith.index_cast %add3A_247 : i32 to index
        %swap3A_295 = arith.constant 32 : index
        %swap3A_296 = tpu.vector_load %arg9[%swap3A_294, %swap3A_295] {strides = array<i32>} : memref<48x128xf32, #tpu.memory_space<vmem>>, vector<1x16xf32>,
        %swap3A_297 = vector.shape_cast %swap3A_296 : vector<1x16xf32> to vector<16xf32>
        %swap3A_298 = vector.shape_cast %max3A_293 : vector<16xf32> to vector<1x16xf32>
        tpu.vector_store %arg9[%swap3A_294, %swap3A_295], %swap3A_298 {strides = array<i32>} : memref<48x128xf32, #tpu.memory_space<vmem>>, vector<1x16xf32>,
        %get3A_299 = arith.index_cast %add3A_247 : i32 to index
        %get3A_300 = arith.constant 48 : index
        %get3A_301 = tpu.vector_load %arg9[%get3A_299, %get3A_300] {strides = array<i32>} : memref<48x128xf32, #tpu.memory_space<vmem>>, vector<1x16xf32>,
        %get3A_302 = vector.shape_cast %get3A_301 : vector<1x16xf32> to vector<16xf32>
        %get3A_303 = arith.index_cast %add3A_247 : i32 to index
        %get3A_304 = arith.constant 48 : index
        %get3A_305 = tpu.vector_load %arg11[%get3A_303, %get3A_304] {strides = array<i32>} : memref<48x128xf32, #tpu.memory_space<vmem>>, vector<1x16xf32>,
        %get3A_306 = vector.shape_cast %get3A_305 : vector<1x16xf32> to vector<16xf32>
        %add3A_307 = arith.addf %get3A_302, %get3A_306 : vector<16xf32>
        %max3A_308 = arith.constant 0.000000e+00 : f32
        %max3A_309 = vector.broadcast %max3A_308 : f32 to vector<16xf32>
        %max3A_310 = arith.maximumf %add3A_307, %max3A_309 : vector<16xf32>
        %swap3A_311 = arith.index_cast %add3A_247 : i32 to index
        %swap3A_312 = arith.constant 48 : index
        %swap3A_313 = tpu.vector_load %arg9[%swap3A_311, %swap3A_312] {strides = array<i32>} : memref<48x128xf32, #tpu.memory_space<vmem>>, vector<1x16xf32>,
        %swap3A_314 = vector.shape_cast %swap3A_313 : vector<1x16xf32> to vector<16xf32>
        %swap3A_315 = vector.shape_cast %max3A_310 : vector<16xf32> to vector<1x16xf32>
        tpu.vector_store %arg9[%swap3A_311, %swap3A_312], %swap3A_315 {strides = array<i32>} : memref<48x128xf32, #tpu.memory_space<vmem>>, vector<1x16xf32>,
        %get3A_316 = arith.index_cast %add3A_247 : i32 to index
        %get3A_317 = arith.constant 64 : index
        %get3A_318 = tpu.vector_load %arg9[%get3A_316, %get3A_317] {strides = array<i32>} : memref<48x128xf32, #tpu.memory_space<vmem>>, vector<1x16xf32>,
        %get3A_319 = vector.shape_cast %get3A_318 : vector<1x16xf32> to vector<16xf32>
        %get3A_320 = arith.index_cast %add3A_247 : i32 to index
        %get3A_321 = arith.constant 64 : index
        %get3A_322 = tpu.vector_load %arg11[%get3A_320, %get3A_321] {strides = array<i32>} : memref<48x128xf32, #tpu.memory_space<vmem>>, vector<1x16xf32>,
        %get3A_323 = vector.shape_cast %get3A_322 : vector<1x16xf32> to vector<16xf32>
        %add3A_324 = arith.addf %get3A_319, %get3A_323 : vector<16xf32>
        %max3A_325 = arith.constant 0.000000e+00 : f32
        %max3A_326 = vector.broadcast %max3A_325 : f32 to vector<16xf32>
        %max3A_327 = arith.maximumf %add3A_324, %max3A_326 : vector<16xf32>
        %swap3A_328 = arith.index_cast %add3A_247 : i32 to index
        %swap3A_329 = arith.constant 64 : index
        %swap3A_330 = tpu.vector_load %arg9[%swap3A_328, %swap3A_329] {strides = array<i32>} : memref<48x128xf32, #tpu.memory_space<vmem>>, vector<1x16xf32>,
        %swap3A_331 = vector.shape_cast %swap3A_330 : vector<1x16xf32> to vector<16xf32>
        %swap3A_332 = vector.shape_cast %max3A_327 : vector<16xf32> to vector<1x16xf32>
        tpu.vector_store %arg9[%swap3A_328, %swap3A_329], %swap3A_332 {strides = array<i32>} : memref<48x128xf32, #tpu.memory_space<vmem>>, vector<1x16xf32>,
        %get3A_333 = arith.index_cast %add3A_247 : i32 to index
        %get3A_334 = arith.constant 80 : index
        %get3A_335 = tpu.vector_load %arg9[%get3A_333, %get3A_334] {strides = array<i32>} : memref<48x128xf32, #tpu.memory_space<vmem>>, vector<1x16xf32>,
        %get3A_336 = vector.shape_cast %get3A_335 : vector<1x16xf32> to vector<16xf32>
        %get3A_337 = arith.index_cast %add3A_247 : i32 to index
        %get3A_338 = arith.constant 80 : index
        %get3A_339 = tpu.vector_load %arg11[%get3A_337, %get3A_338] {strides = array<i32>} : memref<48x128xf32, #tpu.memory_space<vmem>>, vector<1x16xf32>,
        %get3A_340 = vector.shape_cast %get3A_339 : vector<1x16xf32> to vector<16xf32>
        %add3A_341 = arith.addf %get3A_336, %get3A_340 : vector<16xf32>
        %max3A_342 = arith.constant 0.000000e+00 : f32
        %max3A_343 = vector.broadcast %max3A_342 : f32 to vector<16xf32>
        %max3A_344 = arith.maximumf %add3A_341, %max3A_343 : vector<16xf32>
        %swap3A_345 = arith.index_cast %add3A_247 : i32 to index
        %swap3A_346 = arith.constant 80 : index
        %swap3A_347 = tpu.vector_load %arg9[%swap3A_345, %swap3A_346] {strides = array<i32>} : memref<48x128xf32, #tpu.memory_space<vmem>>, vector<1x16xf32>,
        %swap3A_348 = vector.shape_cast %swap3A_347 : vector<1x16xf32> to vector<16xf32>
        %swap3A_349 = vector.shape_cast %max3A_344 : vector<16xf32> to vector<1x16xf32>
        tpu.vector_store %arg9[%swap3A_345, %swap3A_346], %swap3A_349 {strides = array<i32>} : memref<48x128xf32, #tpu.memory_space<vmem>>, vector<1x16xf32>,
        %get3A_350 = arith.index_cast %add3A_247 : i32 to index
        %get3A_351 = arith.constant 96 : index
        %get3A_352 = tpu.vector_load %arg9[%get3A_350, %get3A_351] {strides = array<i32>} : memref<48x128xf32, #tpu.memory_space<vmem>>, vector<1x16xf32>,
        %get3A_353 = vector.shape_cast %get3A_352 : vector<1x16xf32> to vector<16xf32>
        %get3A_354 = arith.index_cast %add3A_247 : i32 to index
        %get3A_355 = arith.constant 96 : index
        %get3A_356 = tpu.vector_load %arg11[%get3A_354, %get3A_355] {strides = array<i32>} : memref<48x128xf32, #tpu.memory_space<vmem>>, vector<1x16xf32>,
        %get3A_357 = vector.shape_cast %get3A_356 : vector<1x16xf32> to vector<16xf32>
        %add3A_358 = arith.addf %get3A_353, %get3A_357 : vector<16xf32>
        %max3A_359 = arith.constant 0.000000e+00 : f32
        %max3A_360 = vector.broadcast %max3A_359 : f32 to vector<16xf32>
        %max3A_361 = arith.maximumf %add3A_358, %max3A_360 : vector<16xf32>
        %swap3A_362 = arith.index_cast %add3A_247 : i32 to index
        %swap3A_363 = arith.constant 96 : index
        %swap3A_364 = tpu.vector_load %arg9[%swap3A_362, %swap3A_363] {strides = array<i32>} : memref<48x128xf32, #tpu.memory_space<vmem>>, vector<1x16xf32>,
        %swap3A_365 = vector.shape_cast %swap3A_364 : vector<1x16xf32> to vector<16xf32>
        %swap3A_366 = vector.shape_cast %max3A_361 : vector<16xf32> to vector<1x16xf32>
        tpu.vector_store %arg9[%swap3A_362, %swap3A_363], %swap3A_366 {strides = array<i32>} : memref<48x128xf32, #tpu.memory_space<vmem>>, vector<1x16xf32>,
        %get3A_367 = arith.index_cast %add3A_247 : i32 to index
        %get3A_368 = arith.constant 112 : index
        %get3A_369 = tpu.vector_load %arg9[%get3A_367, %get3A_368] {strides = array<i32>} : memref<48x128xf32, #tpu.memory_space<vmem>>, vector<1x16xf32>,
        %get3A_370 = vector.shape_cast %get3A_369 : vector<1x16xf32> to vector<16xf32>
        %get3A_371 = arith.index_cast %add3A_247 : i32 to index
        %get3A_372 = arith.constant 112 : index
        %get3A_373 = tpu.vector_load %arg11[%get3A_371, %get3A_372] {strides = array<i32>} : memref<48x128xf32, #tpu.memory_space<vmem>>, vector<1x16xf32>,
        %get3A_374 = vector.shape_cast %get3A_373 : vector<1x16xf32> to vector<16xf32>
        %add3A_375 = arith.addf %get3A_370, %get3A_374 : vector<16xf32>
        %max3A_376 = arith.constant 0.000000e+00 : f32
        %max3A_377 = vector.broadcast %max3A_376 : f32 to vector<16xf32>
        %max3A_378 = arith.maximumf %add3A_375, %max3A_377 : vector<16xf32>
        %swap3A_379 = arith.index_cast %add3A_247 : i32 to index
        %swap3A_380 = arith.constant 112 : index
        %swap3A_381 = tpu.vector_load %arg9[%swap3A_379, %swap3A_380] {strides = array<i32>} : memref<48x128xf32, #tpu.memory_space<vmem>>, vector<1x16xf32>,
        %swap3A_382 = vector.shape_cast %swap3A_381 : vector<1x16xf32> to vector<16xf32>
        %swap3A_383 = vector.shape_cast %max3A_378 : vector<16xf32> to vector<1x16xf32>
        tpu.vector_store %arg9[%swap3A_379, %swap3A_380], %swap3A_383 {strides = array<i32>} : memref<48x128xf32, #tpu.memory_space<vmem>>, vector<1x16xf32>,
        %mul3A_384 = arith.constant 4 : i32
        %mul3A_385 = arith.muli %scan3A_103, %mul3A_384 : i32
        %add3A_386 = arith.constant 2 : i32
        %add3A_387 = arith.addi %mul3A_385, %add3A_386 : i32
        %get3A_388 = arith.index_cast %add3A_387 : i32 to index
        %get3A_389 = arith.constant 0 : index
        %get3A_390 = tpu.vector_load %arg9[%get3A_388, %get3A_389] {strides = array<i32>} : memref<48x128xf32, #tpu.memory_space<vmem>>, vector<1x16xf32>,
        %get3A_391 = vector.shape_cast %get3A_390 : vector<1x16xf32> to vector<16xf32>
        %get3A_392 = arith.index_cast %add3A_387 : i32 to index
        %get3A_393 = arith.constant 0 : index
        %get3A_394 = tpu.vector_load %arg11[%get3A_392, %get3A_393] {strides = array<i32>} : memref<48x128xf32, #tpu.memory_space<vmem>>, vector<1x16xf32>,
        %get3A_395 = vector.shape_cast %get3A_394 : vector<1x16xf32> to vector<16xf32>
        %add3A_396 = arith.addf %get3A_391, %get3A_395 : vector<16xf32>
        %max3A_397 = arith.constant 0.000000e+00 : f32
        %max3A_398 = vector.broadcast %max3A_397 : f32 to vector<16xf32>
        %max3A_399 = arith.maximumf %add3A_396, %max3A_398 : vector<16xf32>
        %swap3A_400 = arith.index_cast %add3A_387 : i32 to index
        %swap3A_401 = arith.constant 0 : index
        %swap3A_402 = tpu.vector_load %arg9[%swap3A_400, %swap3A_401] {strides = array<i32>} : memref<48x128xf32, #tpu.memory_space<vmem>>, vector<1x16xf32>,
        %swap3A_403 = vector.shape_cast %swap3A_402 : vector<1x16xf32> to vector<16xf32>
        %swap3A_404 = vector.shape_cast %max3A_399 : vector<16xf32> to vector<1x16xf32>
        tpu.vector_store %arg9[%swap3A_400, %swap3A_401], %swap3A_404 {strides = array<i32>} : memref<48x128xf32, #tpu.memory_space<vmem>>, vector<1x16xf32>,
        %get3A_405 = arith.index_cast %add3A_387 : i32 to index
        %get3A_406 = arith.constant 16 : index
        %get3A_407 = tpu.vector_load %arg9[%get3A_405, %get3A_406] {strides = array<i32>} : memref<48x128xf32, #tpu.memory_space<vmem>>, vector<1x16xf32>,
        %get3A_408 = vector.shape_cast %get3A_407 : vector<1x16xf32> to vector<16xf32>
        %get3A_409 = arith.index_cast %add3A_387 : i32 to index
        %get3A_410 = arith.constant 16 : index
        %get3A_411 = tpu.vector_load %arg11[%get3A_409, %get3A_410] {strides = array<i32>} : memref<48x128xf32, #tpu.memory_space<vmem>>, vector<1x16xf32>,
        %get3A_412 = vector.shape_cast %get3A_411 : vector<1x16xf32> to vector<16xf32>
        %add3A_413 = arith.addf %get3A_408, %get3A_412 : vector<16xf32>
        %max3A_414 = arith.constant 0.000000e+00 : f32
        %max3A_415 = vector.broadcast %max3A_414 : f32 to vector<16xf32>
        %max3A_416 = arith.maximumf %add3A_413, %max3A_415 : vector<16xf32>
        %swap3A_417 = arith.index_cast %add3A_387 : i32 to index
        %swap3A_418 = arith.constant 16 : index
        %swap3A_419 = tpu.vector_load %arg9[%swap3A_417, %swap3A_418] {strides = array<i32>} : memref<48x128xf32, #tpu.memory_space<vmem>>, vector<1x16xf32>,
        %swap3A_420 = vector.shape_cast %swap3A_419 : vector<1x16xf32> to vector<16xf32>
        %swap3A_421 = vector.shape_cast %max3A_416 : vector<16xf32> to vector<1x16xf32>
        tpu.vector_store %arg9[%swap3A_417, %swap3A_418], %swap3A_421 {strides = array<i32>} : memref<48x128xf32, #tpu.memory_space<vmem>>, vector<1x16xf32>,
        %get3A_422 = arith.index_cast %add3A_387 : i32 to index
        %get3A_423 = arith.constant 32 : index
        %get3A_424 = tpu.vector_load %arg9[%get3A_422, %get3A_423] {strides = array<i32>} : memref<48x128xf32, #tpu.memory_space<vmem>>, vector<1x16xf32>,
        %get3A_425 = vector.shape_cast %get3A_424 : vector<1x16xf32> to vector<16xf32>
        %get3A_426 = arith.index_cast %add3A_387 : i32 to index
        %get3A_427 = arith.constant 32 : index
        %get3A_428 = tpu.vector_load %arg11[%get3A_426, %get3A_427] {strides = array<i32>} : memref<48x128xf32, #tpu.memory_space<vmem>>, vector<1x16xf32>,
        %get3A_429 = vector.shape_cast %get3A_428 : vector<1x16xf32> to vector<16xf32>
        %add3A_430 = arith.addf %get3A_425, %get3A_429 : vector<16xf32>
        %max3A_431 = arith.constant 0.000000e+00 : f32
        %max3A_432 = vector.broadcast %max3A_431 : f32 to vector<16xf32>
        %max3A_433 = arith.maximumf %add3A_430, %max3A_432 : vector<16xf32>
        %swap3A_434 = arith.index_cast %add3A_387 : i32 to index
        %swap3A_435 = arith.constant 32 : index
        %swap3A_436 = tpu.vector_load %arg9[%swap3A_434, %swap3A_435] {strides = array<i32>} : memref<48x128xf32, #tpu.memory_space<vmem>>, vector<1x16xf32>,
        %swap3A_437 = vector.shape_cast %swap3A_436 : vector<1x16xf32> to vector<16xf32>
        %swap3A_438 = vector.shape_cast %max3A_433 : vector<16xf32> to vector<1x16xf32>
        tpu.vector_store %arg9[%swap3A_434, %swap3A_435], %swap3A_438 {strides = array<i32>} : memref<48x128xf32, #tpu.memory_space<vmem>>, vector<1x16xf32>,
        %get3A_439 = arith.index_cast %add3A_387 : i32 to index
        %get3A_440 = arith.constant 48 : index
        %get3A_441 = tpu.vector_load %arg9[%get3A_439, %get3A_440] {strides = array<i32>} : memref<48x128xf32, #tpu.memory_space<vmem>>, vector<1x16xf32>,
        %get3A_442 = vector.shape_cast %get3A_441 : vector<1x16xf32> to vector<16xf32>
        %get3A_443 = arith.index_cast %add3A_387 : i32 to index
        %get3A_444 = arith.constant 48 : index
        %get3A_445 = tpu.vector_load %arg11[%get3A_443, %get3A_444] {strides = array<i32>} : memref<48x128xf32, #tpu.memory_space<vmem>>, vector<1x16xf32>,
        %get3A_446 = vector.shape_cast %get3A_445 : vector<1x16xf32> to vector<16xf32>
        %add3A_447 = arith.addf %get3A_442, %get3A_446 : vector<16xf32>
        %max3A_448 = arith.constant 0.000000e+00 : f32
        %max3A_449 = vector.broadcast %max3A_448 : f32 to vector<16xf32>
        %max3A_450 = arith.maximumf %add3A_447, %max3A_449 : vector<16xf32>
        %swap3A_451 = arith.index_cast %add3A_387 : i32 to index
        %swap3A_452 = arith.constant 48 : index
        %swap3A_453 = tpu.vector_load %arg9[%swap3A_451, %swap3A_452] {strides = array<i32>} : memref<48x128xf32, #tpu.memory_space<vmem>>, vector<1x16xf32>,
        %swap3A_454 = vector.shape_cast %swap3A_453 : vector<1x16xf32> to vector<16xf32>
        %swap3A_455 = vector.shape_cast %max3A_450 : vector<16xf32> to vector<1x16xf32>
        tpu.vector_store %arg9[%swap3A_451, %swap3A_452], %swap3A_455 {strides = array<i32>} : memref<48x128xf32, #tpu.memory_space<vmem>>, vector<1x16xf32>,
        %get3A_456 = arith.index_cast %add3A_387 : i32 to index
        %get3A_457 = arith.constant 64 : index
        %get3A_458 = tpu.vector_load %arg9[%get3A_456, %get3A_457] {strides = array<i32>} : memref<48x128xf32, #tpu.memory_space<vmem>>, vector<1x16xf32>,
        %get3A_459 = vector.shape_cast %get3A_458 : vector<1x16xf32> to vector<16xf32>
        %get3A_460 = arith.index_cast %add3A_387 : i32 to index
        %get3A_461 = arith.constant 64 : index
        %get3A_462 = tpu.vector_load %arg11[%get3A_460, %get3A_461] {strides = array<i32>} : memref<48x128xf32, #tpu.memory_space<vmem>>, vector<1x16xf32>,
        %get3A_463 = vector.shape_cast %get3A_462 : vector<1x16xf32> to vector<16xf32>
        %add3A_464 = arith.addf %get3A_459, %get3A_463 : vector<16xf32>
        %max3A_465 = arith.constant 0.000000e+00 : f32
        %max3A_466 = vector.broadcast %max3A_465 : f32 to vector<16xf32>
        %max3A_467 = arith.maximumf %add3A_464, %max3A_466 : vector<16xf32>
        %swap3A_468 = arith.index_cast %add3A_387 : i32 to index
        %swap3A_469 = arith.constant 64 : index
        %swap3A_470 = tpu.vector_load %arg9[%swap3A_468, %swap3A_469] {strides = array<i32>} : memref<48x128xf32, #tpu.memory_space<vmem>>, vector<1x16xf32>,
        %swap3A_471 = vector.shape_cast %swap3A_470 : vector<1x16xf32> to vector<16xf32>
        %swap3A_472 = vector.shape_cast %max3A_467 : vector<16xf32> to vector<1x16xf32>
        tpu.vector_store %arg9[%swap3A_468, %swap3A_469], %swap3A_472 {strides = array<i32>} : memref<48x128xf32, #tpu.memory_space<vmem>>, vector<1x16xf32>,
        %get3A_473 = arith.index_cast %add3A_387 : i32 to index
        %get3A_474 = arith.constant 80 : index
        %get3A_475 = tpu.vector_load %arg9[%get3A_473, %get3A_474] {strides = array<i32>} : memref<48x128xf32, #tpu.memory_space<vmem>>, vector<1x16xf32>,
        %get3A_476 = vector.shape_cast %get3A_475 : vector<1x16xf32> to vector<16xf32>
        %get3A_477 = arith.index_cast %add3A_387 : i32 to index
        %get3A_478 = arith.constant 80 : index
        %get3A_479 = tpu.vector_load %arg11[%get3A_477, %get3A_478] {strides = array<i32>} : memref<48x128xf32, #tpu.memory_space<vmem>>, vector<1x16xf32>,
        %get3A_480 = vector.shape_cast %get3A_479 : vector<1x16xf32> to vector<16xf32>
        %add3A_481 = arith.addf %get3A_476, %get3A_480 : vector<16xf32>
        %max3A_482 = arith.constant 0.000000e+00 : f32
        %max3A_483 = vector.broadcast %max3A_482 : f32 to vector<16xf32>
        %max3A_484 = arith.maximumf %add3A_481, %max3A_483 : vector<16xf32>
        %swap3A_485 = arith.index_cast %add3A_387 : i32 to index
        %swap3A_486 = arith.constant 80 : index
        %swap3A_487 = tpu.vector_load %arg9[%swap3A_485, %swap3A_486] {strides = array<i32>} : memref<48x128xf32, #tpu.memory_space<vmem>>, vector<1x16xf32>,
        %swap3A_488 = vector.shape_cast %swap3A_487 : vector<1x16xf32> to vector<16xf32>
        %swap3A_489 = vector.shape_cast %max3A_484 : vector<16xf32> to vector<1x16xf32>
        tpu.vector_store %arg9[%swap3A_485, %swap3A_486], %swap3A_489 {strides = array<i32>} : memref<48x128xf32, #tpu.memory_space<vmem>>, vector<1x16xf32>,
        %get3A_490 = arith.index_cast %add3A_387 : i32 to index
        %get3A_491 = arith.constant 96 : index
        %get3A_492 = tpu.vector_load %arg9[%get3A_490, %get3A_491] {strides = array<i32>} : memref<48x128xf32, #tpu.memory_space<vmem>>, vector<1x16xf32>,
        %get3A_493 = vector.shape_cast %get3A_492 : vector<1x16xf32> to vector<16xf32>
        %get3A_494 = arith.index_cast %add3A_387 : i32 to index
        %get3A_495 = arith.constant 96 : index
        %get3A_496 = tpu.vector_load %arg11[%get3A_494, %get3A_495] {strides = array<i32>} : memref<48x128xf32, #tpu.memory_space<vmem>>, vector<1x16xf32>,
        %get3A_497 = vector.shape_cast %get3A_496 : vector<1x16xf32> to vector<16xf32>
        %add3A_498 = arith.addf %get3A_493, %get3A_497 : vector<16xf32>
        %max3A_499 = arith.constant 0.000000e+00 : f32
        %max3A_500 = vector.broadcast %max3A_499 : f32 to vector<16xf32>
        %max3A_501 = arith.maximumf %add3A_498, %max3A_500 : vector<16xf32>
        %swap3A_502 = arith.index_cast %add3A_387 : i32 to index
        %swap3A_503 = arith.constant 96 : index
        %swap3A_504 = tpu.vector_load %arg9[%swap3A_502, %swap3A_503] {strides = array<i32>} : memref<48x128xf32, #tpu.memory_space<vmem>>, vector<1x16xf32>,
        %swap3A_505 = vector.shape_cast %swap3A_504 : vector<1x16xf32> to vector<16xf32>
        %swap3A_506 = vector.shape_cast %max3A_501 : vector<16xf32> to vector<1x16xf32>
        tpu.vector_store %arg9[%swap3A_502, %swap3A_503], %swap3A_506 {strides = array<i32>} : memref<48x128xf32, #tpu.memory_space<vmem>>, vector<1x16xf32>,
        %get3A_507 = arith.index_cast %add3A_387 : i32 to index
        %get3A_508 = arith.constant 112 : index
        %get3A_509 = tpu.vector_load %arg9[%get3A_507, %get3A_508] {strides = array<i32>} : memref<48x128xf32, #tpu.memory_space<vmem>>, vector<1x16xf32>,
        %get3A_510 = vector.shape_cast %get3A_509 : vector<1x16xf32> to vector<16xf32>
        %get3A_511 = arith.index_cast %add3A_387 : i32 to index
        %get3A_512 = arith.constant 112 : index
        %get3A_513 = tpu.vector_load %arg11[%get3A_511, %get3A_512] {strides = array<i32>} : memref<48x128xf32, #tpu.memory_space<vmem>>, vector<1x16xf32>,
        %get3A_514 = vector.shape_cast %get3A_513 : vector<1x16xf32> to vector<16xf32>
        %add3A_515 = arith.addf %get3A_510, %get3A_514 : vector<16xf32>
        %max3A_516 = arith.constant 0.000000e+00 : f32
        %max3A_517 = vector.broadcast %max3A_516 : f32 to vector<16xf32>
        %max3A_518 = arith.maximumf %add3A_515, %max3A_517 : vector<16xf32>
        %swap3A_519 = arith.index_cast %add3A_387 : i32 to index
        %swap3A_520 = arith.constant 112 : index
        %swap3A_521 = tpu.vector_load %arg9[%swap3A_519, %swap3A_520] {strides = array<i32>} : memref<48x128xf32, #tpu.memory_space<vmem>>, vector<1x16xf32>,
        %swap3A_522 = vector.shape_cast %swap3A_521 : vector<1x16xf32> to vector<16xf32>
        %swap3A_523 = vector.shape_cast %max3A_518 : vector<16xf32> to vector<1x16xf32>
        tpu.vector_store %arg9[%swap3A_519, %swap3A_520], %swap3A_523 {strides = array<i32>} : memref<48x128xf32, #tpu.memory_space<vmem>>, vector<1x16xf32>,
        %mul3A_524 = arith.constant 4 : i32
        %mul3A_525 = arith.muli %scan3A_103, %mul3A_524 : i32
        %add3A_526 = arith.constant 3 : i32
        %add3A_527 = arith.addi %mul3A_525, %add3A_526 : i32
        %get3A_528 = arith.index_cast %add3A_527 : i32 to index
        %get3A_529 = arith.constant 0 : index
        %get3A_530 = tpu.vector_load %arg9[%get3A_528, %get3A_529] {strides = array<i32>} : memref<48x128xf32, #tpu.memory_space<vmem>>, vector<1x16xf32>,
        %get3A_531 = vector.shape_cast %get3A_530 : vector<1x16xf32> to vector<16xf32>
        %get3A_532 = arith.index_cast %add3A_527 : i32 to index
        %get3A_533 = arith.constant 0 : index
        %get3A_534 = tpu.vector_load %arg11[%get3A_532, %get3A_533] {strides = array<i32>} : memref<48x128xf32, #tpu.memory_space<vmem>>, vector<1x16xf32>,
        %get3A_535 = vector.shape_cast %get3A_534 : vector<1x16xf32> to vector<16xf32>
        %add3A_536 = arith.addf %get3A_531, %get3A_535 : vector<16xf32>
        %max3A_537 = arith.constant 0.000000e+00 : f32
        %max3A_538 = vector.broadcast %max3A_537 : f32 to vector<16xf32>
        %max3A_539 = arith.maximumf %add3A_536, %max3A_538 : vector<16xf32>
        %swap3A_540 = arith.index_cast %add3A_527 : i32 to index
        %swap3A_541 = arith.constant 0 : index
        %swap3A_542 = tpu.vector_load %arg9[%swap3A_540, %swap3A_541] {strides = array<i32>} : memref<48x128xf32, #tpu.memory_space<vmem>>, vector<1x16xf32>,
        %swap3A_543 = vector.shape_cast %swap3A_542 : vector<1x16xf32> to vector<16xf32>
        %swap3A_544 = vector.shape_cast %max3A_539 : vector<16xf32> to vector<1x16xf32>
        tpu.vector_store %arg9[%swap3A_540, %swap3A_541], %swap3A_544 {strides = array<i32>} : memref<48x128xf32, #tpu.memory_space<vmem>>, vector<1x16xf32>,
        %get3A_545 = arith.index_cast %add3A_527 : i32 to index
        %get3A_546 = arith.constant 16 : index
        %get3A_547 = tpu.vector_load %arg9[%get3A_545, %get3A_546] {strides = array<i32>} : memref<48x128xf32, #tpu.memory_space<vmem>>, vector<1x16xf32>,
        %get3A_548 = vector.shape_cast %get3A_547 : vector<1x16xf32> to vector<16xf32>
        %get3A_549 = arith.index_cast %add3A_527 : i32 to index
        %get3A_550 = arith.constant 16 : index
        %get3A_551 = tpu.vector_load %arg11[%get3A_549, %get3A_550] {strides = array<i32>} : memref<48x128xf32, #tpu.memory_space<vmem>>, vector<1x16xf32>,
        %get3A_552 = vector.shape_cast %get3A_551 : vector<1x16xf32> to vector<16xf32>
        %add3A_553 = arith.addf %get3A_548, %get3A_552 : vector<16xf32>
        %max3A_554 = arith.constant 0.000000e+00 : f32
        %max3A_555 = vector.broadcast %max3A_554 : f32 to vector<16xf32>
        %max3A_556 = arith.maximumf %add3A_553, %max3A_555 : vector<16xf32>
        %swap3A_557 = arith.index_cast %add3A_527 : i32 to index
        %swap3A_558 = arith.constant 16 : index
        %swap3A_559 = tpu.vector_load %arg9[%swap3A_557, %swap3A_558] {strides = array<i32>} : memref<48x128xf32, #tpu.memory_space<vmem>>, vector<1x16xf32>,
        %swap3A_560 = vector.shape_cast %swap3A_559 : vector<1x16xf32> to vector<16xf32>
        %swap3A_561 = vector.shape_cast %max3A_556 : vector<16xf32> to vector<1x16xf32>
        tpu.vector_store %arg9[%swap3A_557, %swap3A_558], %swap3A_561 {strides = array<i32>} : memref<48x128xf32, #tpu.memory_space<vmem>>, vector<1x16xf32>,
        %get3A_562 = arith.index_cast %add3A_527 : i32 to index
        %get3A_563 = arith.constant 32 : index
        %get3A_564 = tpu.vector_load %arg9[%get3A_562, %get3A_563] {strides = array<i32>} : memref<48x128xf32, #tpu.memory_space<vmem>>, vector<1x16xf32>,
        %get3A_565 = vector.shape_cast %get3A_564 : vector<1x16xf32> to vector<16xf32>
        %get3A_566 = arith.index_cast %add3A_527 : i32 to index
        %get3A_567 = arith.constant 32 : index
        %get3A_568 = tpu.vector_load %arg11[%get3A_566, %get3A_567] {strides = array<i32>} : memref<48x128xf32, #tpu.memory_space<vmem>>, vector<1x16xf32>,
        %get3A_569 = vector.shape_cast %get3A_568 : vector<1x16xf32> to vector<16xf32>
        %add3A_570 = arith.addf %get3A_565, %get3A_569 : vector<16xf32>
        %max3A_571 = arith.constant 0.000000e+00 : f32
        %max3A_572 = vector.broadcast %max3A_571 : f32 to vector<16xf32>
        %max3A_573 = arith.maximumf %add3A_570, %max3A_572 : vector<16xf32>
        %swap3A_574 = arith.index_cast %add3A_527 : i32 to index
        %swap3A_575 = arith.constant 32 : index
        %swap3A_576 = tpu.vector_load %arg9[%swap3A_574, %swap3A_575] {strides = array<i32>} : memref<48x128xf32, #tpu.memory_space<vmem>>, vector<1x16xf32>,
        %swap3A_577 = vector.shape_cast %swap3A_576 : vector<1x16xf32> to vector<16xf32>
        %swap3A_578 = vector.shape_cast %max3A_573 : vector<16xf32> to vector<1x16xf32>
        tpu.vector_store %arg9[%swap3A_574, %swap3A_575], %swap3A_578 {strides = array<i32>} : memref<48x128xf32, #tpu.memory_space<vmem>>, vector<1x16xf32>,
        %get3A_579 = arith.index_cast %add3A_527 : i32 to index
        %get3A_580 = arith.constant 48 : index
        %get3A_581 = tpu.vector_load %arg9[%get3A_579, %get3A_580] {strides = array<i32>} : memref<48x128xf32, #tpu.memory_space<vmem>>, vector<1x16xf32>,
        %get3A_582 = vector.shape_cast %get3A_581 : vector<1x16xf32> to vector<16xf32>
        %get3A_583 = arith.index_cast %add3A_527 : i32 to index
        %get3A_584 = arith.constant 48 : index
        %get3A_585 = tpu.vector_load %arg11[%get3A_583, %get3A_584] {strides = array<i32>} : memref<48x128xf32, #tpu.memory_space<vmem>>, vector<1x16xf32>,
        %get3A_586 = vector.shape_cast %get3A_585 : vector<1x16xf32> to vector<16xf32>
        %add3A_587 = arith.addf %get3A_582, %get3A_586 : vector<16xf32>
        %max3A_588 = arith.constant 0.000000e+00 : f32
        %max3A_589 = vector.broadcast %max3A_588 : f32 to vector<16xf32>
        %max3A_590 = arith.maximumf %add3A_587, %max3A_589 : vector<16xf32>
        %swap3A_591 = arith.index_cast %add3A_527 : i32 to index
        %swap3A_592 = arith.constant 48 : index
        %swap3A_593 = tpu.vector_load %arg9[%swap3A_591, %swap3A_592] {strides = array<i32>} : memref<48x128xf32, #tpu.memory_space<vmem>>, vector<1x16xf32>,
        %swap3A_594 = vector.shape_cast %swap3A_593 : vector<1x16xf32> to vector<16xf32>
        %swap3A_595 = vector.shape_cast %max3A_590 : vector<16xf32> to vector<1x16xf32>
        tpu.vector_store %arg9[%swap3A_591, %swap3A_592], %swap3A_595 {strides = array<i32>} : memref<48x128xf32, #tpu.memory_space<vmem>>, vector<1x16xf32>,
        %get3A_596 = arith.index_cast %add3A_527 : i32 to index
        %get3A_597 = arith.constant 64 : index
        %get3A_598 = tpu.vector_load %arg9[%get3A_596, %get3A_597] {strides = array<i32>} : memref<48x128xf32, #tpu.memory_space<vmem>>, vector<1x16xf32>,
        %get3A_599 = vector.shape_cast %get3A_598 : vector<1x16xf32> to vector<16xf32>
        %get3A_600 = arith.index_cast %add3A_527 : i32 to index
        %get3A_601 = arith.constant 64 : index
        %get3A_602 = tpu.vector_load %arg11[%get3A_600, %get3A_601] {strides = array<i32>} : memref<48x128xf32, #tpu.memory_space<vmem>>, vector<1x16xf32>,
        %get3A_603 = vector.shape_cast %get3A_602 : vector<1x16xf32> to vector<16xf32>
        %add3A_604 = arith.addf %get3A_599, %get3A_603 : vector<16xf32>
        %max3A_605 = arith.constant 0.000000e+00 : f32
        %max3A_606 = vector.broadcast %max3A_605 : f32 to vector<16xf32>
        %max3A_607 = arith.maximumf %add3A_604, %max3A_606 : vector<16xf32>
        %swap3A_608 = arith.index_cast %add3A_527 : i32 to index
        %swap3A_609 = arith.constant 64 : index
        %swap3A_610 = tpu.vector_load %arg9[%swap3A_608, %swap3A_609] {strides = array<i32>} : memref<48x128xf32, #tpu.memory_space<vmem>>, vector<1x16xf32>,
        %swap3A_611 = vector.shape_cast %swap3A_610 : vector<1x16xf32> to vector<16xf32>
        %swap3A_612 = vector.shape_cast %max3A_607 : vector<16xf32> to vector<1x16xf32>
        tpu.vector_store %arg9[%swap3A_608, %swap3A_609], %swap3A_612 {strides = array<i32>} : memref<48x128xf32, #tpu.memory_space<vmem>>, vector<1x16xf32>,
        %get3A_613 = arith.index_cast %add3A_527 : i32 to index
        %get3A_614 = arith.constant 80 : index
        %get3A_615 = tpu.vector_load %arg9[%get3A_613, %get3A_614] {strides = array<i32>} : memref<48x128xf32, #tpu.memory_space<vmem>>, vector<1x16xf32>,
        %get3A_616 = vector.shape_cast %get3A_615 : vector<1x16xf32> to vector<16xf32>
        %get3A_617 = arith.index_cast %add3A_527 : i32 to index
        %get3A_618 = arith.constant 80 : index
        %get3A_619 = tpu.vector_load %arg11[%get3A_617, %get3A_618] {strides = array<i32>} : memref<48x128xf32, #tpu.memory_space<vmem>>, vector<1x16xf32>,
        %get3A_620 = vector.shape_cast %get3A_619 : vector<1x16xf32> to vector<16xf32>
        %add3A_621 = arith.addf %get3A_616, %get3A_620 : vector<16xf32>
        %max3A_622 = arith.constant 0.000000e+00 : f32
        %max3A_623 = vector.broadcast %max3A_622 : f32 to vector<16xf32>
        %max3A_624 = arith.maximumf %add3A_621, %max3A_623 : vector<16xf32>
        %swap3A_625 = arith.index_cast %add3A_527 : i32 to index
        %swap3A_626 = arith.constant 80 : index
        %swap3A_627 = tpu.vector_load %arg9[%swap3A_625, %swap3A_626] {strides = array<i32>} : memref<48x128xf32, #tpu.memory_space<vmem>>, vector<1x16xf32>,
        %swap3A_628 = vector.shape_cast %swap3A_627 : vector<1x16xf32> to vector<16xf32>
        %swap3A_629 = vector.shape_cast %max3A_624 : vector<16xf32> to vector<1x16xf32>
        tpu.vector_store %arg9[%swap3A_625, %swap3A_626], %swap3A_629 {strides = array<i32>} : memref<48x128xf32, #tpu.memory_space<vmem>>, vector<1x16xf32>,
        %get3A_630 = arith.index_cast %add3A_527 : i32 to index
        %get3A_631 = arith.constant 96 : index
        %get3A_632 = tpu.vector_load %arg9[%get3A_630, %get3A_631] {strides = array<i32>} : memref<48x128xf32, #tpu.memory_space<vmem>>, vector<1x16xf32>,
        %get3A_633 = vector.shape_cast %get3A_632 : vector<1x16xf32> to vector<16xf32>
        %get3A_634 = arith.index_cast %add3A_527 : i32 to index
        %get3A_635 = arith.constant 96 : index
        %get3A_636 = tpu.vector_load %arg11[%get3A_634, %get3A_635] {strides = array<i32>} : memref<48x128xf32, #tpu.memory_space<vmem>>, vector<1x16xf32>,
        %get3A_637 = vector.shape_cast %get3A_636 : vector<1x16xf32> to vector<16xf32>
        %add3A_638 = arith.addf %get3A_633, %get3A_637 : vector<16xf32>
        %max3A_639 = arith.constant 0.000000e+00 : f32
        %max3A_640 = vector.broadcast %max3A_639 : f32 to vector<16xf32>
        %max3A_641 = arith.maximumf %add3A_638, %max3A_640 : vector<16xf32>
        %swap3A_642 = arith.index_cast %add3A_527 : i32 to index
        %swap3A_643 = arith.constant 96 : index
        %swap3A_644 = tpu.vector_load %arg9[%swap3A_642, %swap3A_643] {strides = array<i32>} : memref<48x128xf32, #tpu.memory_space<vmem>>, vector<1x16xf32>,
        %swap3A_645 = vector.shape_cast %swap3A_644 : vector<1x16xf32> to vector<16xf32>
        %swap3A_646 = vector.shape_cast %max3A_641 : vector<16xf32> to vector<1x16xf32>
        tpu.vector_store %arg9[%swap3A_642, %swap3A_643], %swap3A_646 {strides = array<i32>} : memref<48x128xf32, #tpu.memory_space<vmem>>, vector<1x16xf32>,
        %get3A_647 = arith.index_cast %add3A_527 : i32 to index
        %get3A_648 = arith.constant 112 : index
        %get3A_649 = tpu.vector_load %arg9[%get3A_647, %get3A_648] {strides = array<i32>} : memref<48x128xf32, #tpu.memory_space<vmem>>, vector<1x16xf32>,
        %get3A_650 = vector.shape_cast %get3A_649 : vector<1x16xf32> to vector<16xf32>
        %get3A_651 = arith.index_cast %add3A_527 : i32 to index
        %get3A_652 = arith.constant 112 : index
        %get3A_653 = tpu.vector_load %arg11[%get3A_651, %get3A_652] {strides = array<i32>} : memref<48x128xf32, #tpu.memory_space<vmem>>, vector<1x16xf32>,
        %get3A_654 = vector.shape_cast %get3A_653 : vector<1x16xf32> to vector<16xf32>
        %add3A_655 = arith.addf %get3A_650, %get3A_654 : vector<16xf32>
        %max3A_656 = arith.constant 0.000000e+00 : f32
        %max3A_657 = vector.broadcast %max3A_656 : f32 to vector<16xf32>
        %max3A_658 = arith.maximumf %add3A_655, %max3A_657 : vector<16xf32>
        %swap3A_659 = arith.index_cast %add3A_527 : i32 to index
        %swap3A_660 = arith.constant 112 : index
        %swap3A_661 = tpu.vector_load %arg9[%swap3A_659, %swap3A_660] {strides = array<i32>} : memref<48x128xf32, #tpu.memory_space<vmem>>, vector<1x16xf32>,
        %swap3A_662 = vector.shape_cast %swap3A_661 : vector<1x16xf32> to vector<16xf32>
        %swap3A_663 = vector.shape_cast %max3A_658 : vector<16xf32> to vector<1x16xf32>
        tpu.vector_store %arg9[%swap3A_659, %swap3A_660], %swap3A_663 {strides = array<i32>} : memref<48x128xf32, #tpu.memory_space<vmem>>, vector<1x16xf32>,
        %scan3A_664 = arith.constant 0 : i32
        scf.yield %scan3A_664 : i32
      }
      %scan3A_89 = arith.constant 12 : i32
      "tpu.region"() ({
        %run_scoped3A = tpu.sem_alloc : memref<!tpu.dma_semaphore, #tpu.memory_space<semaphore_mem>>
        %dma_start3A_103 = arith.constant 0 : i32
        %dma_start3A_104 = arith.constant 0 : i32
        %dma_start3A_105 = tpu.memref_slice %arg15[%dma_start3A_103, %dma_start3A_104] : memref<10240x128xf32, #tpu.memory_space<vmem_shared>> -> memref<10240x128xf32, #tpu.memory_space<vmem_shared>>
        tpu.enqueue_indirect_dma source(%arg9 : memref<48x128xf32, #tpu.memory_space<vmem>>) target(%dma_start3A_105 : memref<10240x128xf32, #tpu.memory_space<vmem_shared>>) offsets(%arg13 : memref<48xi32, #tpu.memory_space<vmem>>) semaphore(%run_scoped3A : memref<!tpu.dma_semaphore, #tpu.memory_space<semaphore_mem>>) {add = true}
        %dma_wait3A_106 = arith.constant 0 : i32
        %dma_wait3A_107 = arith.constant 0 : i32
        %dma_wait3A_108 = tpu.memref_slice %arg15[%dma_wait3A_106, %dma_wait3A_107] : memref<10240x128xf32, #tpu.memory_space<vmem_shared>> -> memref<10240x128xf32, #tpu.memory_space<vmem_shared>>
        tpu.wait_indirect_dma semaphore(%run_scoped3A : memref<!tpu.dma_semaphore, #tpu.memory_space<semaphore_mem>>) src(%arg9 : memref<48x128xf32, #tpu.memory_space<vmem>>) dst(%dma_wait3A_108 : memref<10240x128xf32, #tpu.memory_space<vmem_shared>>)
        tpu.yield
      }) : () -> ()
      %add3A_90 = arith.constant 2 : i32
      %add3A_91 = arith.addi %mul3A_67, %add3A_90 : i32
      %lt3A_92 = arith.constant 209 : i32
      %lt3A_93 = arith.cmpi slt, %add3A_91, %lt3A_92 : i32
      %convert_element_type3A_94 = arith.extui %lt3A_93 : i1 to i32
      %cond3A_95 = arith.constant 0 : i32
      %cond3A_96 = arith.cmpi ne, %convert_element_type3A_94, %cond3A_95 : i32
      scf.if %cond3A_96 {
        %add3A_103 = arith.constant 2 : i32
        %add3A_104 = arith.addi %mul3A_67, %add3A_103 : i32
        %mul3A_105 = arith.constant 48 : i32
        %mul3A_106 = arith.muli %add3A_104, %mul3A_105 : i32
        %add3A_107 = arith.constant 0 : i32
        %add3A_108 = arith.addi %mul3A_106, %add3A_107 : i32
        %get3A_109 = arith.index_cast %add3A_108 : i32 to index
        %get3A_110 = tpu.vector_load %arg8[%get3A_109] {strides = array<i32>} : memref<10032xi32, #tpu.memory_space<vmem>>, vector<16xi32>,
        %get3A_111 = vector.shape_cast %get3A_110 : vector<16xi32> to vector<16xi32>
        %swap3A_112 = arith.constant 0 : index
        %swap3A_113 = tpu.vector_load %arg13[%swap3A_112] {strides = array<i32>} : memref<48xi32, #tpu.memory_space<vmem>>, vector<16xi32>,
        %swap3A_114 = vector.shape_cast %swap3A_113 : vector<16xi32> to vector<16xi32>
        %swap3A_115 = vector.shape_cast %get3A_111 : vector<16xi32> to vector<16xi32>
        tpu.vector_store %arg13[%swap3A_112], %swap3A_115 {strides = array<i32>} : memref<48xi32, #tpu.memory_space<vmem>>, vector<16xi32>,
        %mul3A_116 = arith.constant 48 : i32
        %mul3A_117 = arith.muli %add3A_104, %mul3A_116 : i32
        %add3A_118 = arith.constant 16 : i32
        %add3A_119 = arith.addi %mul3A_117, %add3A_118 : i32
        %get3A_120 = arith.index_cast %add3A_119 : i32 to index
        %get3A_121 = tpu.vector_load %arg8[%get3A_120] {strides = array<i32>} : memref<10032xi32, #tpu.memory_space<vmem>>, vector<16xi32>,
        %get3A_122 = vector.shape_cast %get3A_121 : vector<16xi32> to vector<16xi32>
        %swap3A_123 = arith.constant 16 : index
        %swap3A_124 = tpu.vector_load %arg13[%swap3A_123] {strides = array<i32>} : memref<48xi32, #tpu.memory_space<vmem>>, vector<16xi32>,
        %swap3A_125 = vector.shape_cast %swap3A_124 : vector<16xi32> to vector<16xi32>
        %swap3A_126 = vector.shape_cast %get3A_122 : vector<16xi32> to vector<16xi32>
        tpu.vector_store %arg13[%swap3A_123], %swap3A_126 {strides = array<i32>} : memref<48xi32, #tpu.memory_space<vmem>>, vector<16xi32>,
        %mul3A_127 = arith.constant 48 : i32
        %mul3A_128 = arith.muli %add3A_104, %mul3A_127 : i32
        %add3A_129 = arith.constant 32 : i32
        %add3A_130 = arith.addi %mul3A_128, %add3A_129 : i32
        %get3A_131 = arith.index_cast %add3A_130 : i32 to index
        %get3A_132 = tpu.vector_load %arg8[%get3A_131] {strides = array<i32>} : memref<10032xi32, #tpu.memory_space<vmem>>, vector<16xi32>,
        %get3A_133 = vector.shape_cast %get3A_132 : vector<16xi32> to vector<16xi32>
        %swap3A_134 = arith.constant 32 : index
        %swap3A_135 = tpu.vector_load %arg13[%swap3A_134] {strides = array<i32>} : memref<48xi32, #tpu.memory_space<vmem>>, vector<16xi32>,
        %swap3A_136 = vector.shape_cast %swap3A_135 : vector<16xi32> to vector<16xi32>
        %swap3A_137 = vector.shape_cast %get3A_133 : vector<16xi32> to vector<16xi32>
        tpu.vector_store %arg13[%swap3A_134], %swap3A_137 {strides = array<i32>} : memref<48xi32, #tpu.memory_space<vmem>>, vector<16xi32>,
        %mul3A_138 = arith.constant 48 : i32
        %mul3A_139 = arith.muli %add3A_104, %mul3A_138 : i32
        %dma_start3A_140 = tpu.memref_slice %arg7[%mul3A_139] : memref<10032xi32, #tpu.memory_space<vmem>> -> memref<48xi32, #tpu.memory_space<vmem>>
        %dma_start3A_141 = arith.constant 0 : i32
        %dma_start3A_142 = arith.constant 0 : i32
        %dma_start3A_143 = tpu.memref_slice %arg2[%dma_start3A_141, %dma_start3A_142] : memref<10000x128xf32, #tpu.memory_space<hbm>> -> memref<10000x128xf32, #tpu.memory_space<hbm>>
        tpu.enqueue_indirect_dma source(%dma_start3A_143 : memref<10000x128xf32, #tpu.memory_space<hbm>>) target(%arg9 : memref<48x128xf32, #tpu.memory_space<vmem>>) offsets(%dma_start3A_140 : memref<48xi32, #tpu.memory_space<vmem>>) semaphore(%arg16 : memref<!tpu.dma_semaphore, #tpu.memory_space<semaphore_mem>>)
        %mul3A_144 = arith.constant 10032 : i32
        %mul3A_145 = arith.muli %add3A, %mul3A_144 : i32
        %mul3A_146 = arith.constant 48 : i32
        %mul3A_147 = arith.muli %add3A_104, %mul3A_146 : i32
        %add3A_148 = arith.addi %mul3A_145, %mul3A_147 : i32
        %dma_start3A_149 = arith.constant 0 : i32
        %dma_start3A_150 = tpu.memref_slice %arg3[%add3A_148, %dma_start3A_149] : memref<321024x128xf32, #tpu.memory_space<hbm>> -> memref<48x128xf32, #tpu.memory_space<hbm>>
        %dma_start3A_151 = arith.constant 0 : i32
        %dma_start3A_152 = tpu.memref_slice %arg3[%add3A_148, %dma_start3A_151] : memref<321024x128xf32, #tpu.memory_space<hbm>> -> memref<48x128xf32, #tpu.memory_space<hbm>>
        tpu.enqueue_dma source(%dma_start3A_152 : memref<48x128xf32, #tpu.memory_space<hbm>>) target(%arg11 : memref<48x128xf32, #tpu.memory_space<vmem>>) target_semaphore(%arg18 : memref<!tpu.dma_semaphore, #tpu.memory_space<semaphore_mem>>)
      } else {
      }
      %lt3A_97 = arith.constant 209 : i32
      %lt3A_98 = arith.cmpi slt, %add3A_69, %lt3A_97 : i32
      %convert_element_type3A_99 = arith.extui %lt3A_98 : i1 to i32
      %cond3A_100 = arith.constant 0 : i32
      %cond3A_101 = arith.cmpi ne, %convert_element_type3A_99, %cond3A_100 : i32
      scf.if %cond3A_101 {
        %mul3A_103 = arith.constant 48 : i32
        %mul3A_104 = arith.muli %add3A_69, %mul3A_103 : i32
        %dma_wait3A_105 = tpu.memref_slice %arg7[%mul3A_104] : memref<10032xi32, #tpu.memory_space<vmem>> -> memref<48xi32, #tpu.memory_space<vmem>>
        %dma_wait3A_106 = arith.constant 0 : i32
        %dma_wait3A_107 = arith.constant 0 : i32
        %dma_wait3A_108 = tpu.memref_slice %arg2[%dma_wait3A_106, %dma_wait3A_107] : memref<10000x128xf32, #tpu.memory_space<hbm>> -> memref<10000x128xf32, #tpu.memory_space<hbm>>
        tpu.wait_indirect_dma semaphore(%arg17 : memref<!tpu.dma_semaphore, #tpu.memory_space<semaphore_mem>>) src(%dma_wait3A_108 : memref<10000x128xf32, #tpu.memory_space<hbm>>) dst(%arg10 : memref<48x128xf32, #tpu.memory_space<vmem>>)
        %dma_wait3A_109 = arith.constant 0 : i32
        %dma_wait3A_110 = arith.constant 0 : i32
        %dma_wait3A_111 = tpu.memref_slice %arg3[%dma_wait3A_109, %dma_wait3A_110] : memref<321024x128xf32, #tpu.memory_space<hbm>> -> memref<48x128xf32, #tpu.memory_space<hbm>>
        %dma_wait3A_112 = arith.constant 0 : i32
        %dma_wait3A_113 = arith.constant 0 : i32
        %dma_wait3A_114 = tpu.memref_slice %arg3[%dma_wait3A_112, %dma_wait3A_113] : memref<321024x128xf32, #tpu.memory_space<hbm>> -> memref<48x128xf32, #tpu.memory_space<hbm>>
        tpu.wait_dma2 semaphore(%arg19 : memref<!tpu.dma_semaphore, #tpu.memory_space<semaphore_mem>>) src(%dma_wait3A_114 : memref<48x128xf32, #tpu.memory_space<hbm>>) dst(%arg12 : memref<48x128xf32, #tpu.memory_space<vmem>>)
        %scan3A_115 = arith.constant 0 : i32
        %scan3A_116 = arith.constant 0 : i32
        %scan3A_117 = arith.constant 12 : i32
        %scan3A_118 = arith.addi %scan3A_116, %scan3A_117 : i32
        %scan3A_119 = arith.constant 1 : i32
        %scan3A_120 = scf.for %scan3A_122 = %scan3A_116 to %scan3A_118 step %scan3A_119 iter_args(%scan3A_123 = %scan3A_115) -> (i32)  : i32 {
          %mul3A_124 = arith.constant 4 : i32
          %mul3A_125 = arith.muli %scan3A_122, %mul3A_124 : i32
          %add3A_126 = arith.constant 0 : i32
          %add3A_127 = arith.addi %mul3A_125, %add3A_126 : i32
          %get3A_128 = arith.index_cast %add3A_127 : i32 to index
          %get3A_129 = arith.constant 0 : index
          %get3A_130 = tpu.vector_load %arg10[%get3A_128, %get3A_129] {strides = array<i32>} : memref<48x128xf32, #tpu.memory_space<vmem>>, vector<1x16xf32>,
          %get3A_131 = vector.shape_cast %get3A_130 : vector<1x16xf32> to vector<16xf32>
          %get3A_132 = arith.index_cast %add3A_127 : i32 to index
          %get3A_133 = arith.constant 0 : index
          %get3A_134 = tpu.vector_load %arg12[%get3A_132, %get3A_133] {strides = array<i32>} : memref<48x128xf32, #tpu.memory_space<vmem>>, vector<1x16xf32>,
          %get3A_135 = vector.shape_cast %get3A_134 : vector<1x16xf32> to vector<16xf32>
          %add3A_136 = arith.addf %get3A_131, %get3A_135 : vector<16xf32>
          %max3A = arith.constant 0.000000e+00 : f32
          %max3A_137 = vector.broadcast %max3A : f32 to vector<16xf32>
          %max3A_138 = arith.maximumf %add3A_136, %max3A_137 : vector<16xf32>
          %swap3A_139 = arith.index_cast %add3A_127 : i32 to index
          %swap3A_140 = arith.constant 0 : index
          %swap3A_141 = tpu.vector_load %arg10[%swap3A_139, %swap3A_140] {strides = array<i32>} : memref<48x128xf32, #tpu.memory_space<vmem>>, vector<1x16xf32>,
          %swap3A_142 = vector.shape_cast %swap3A_141 : vector<1x16xf32> to vector<16xf32>
          %swap3A_143 = vector.shape_cast %max3A_138 : vector<16xf32> to vector<1x16xf32>
          tpu.vector_store %arg10[%swap3A_139, %swap3A_140], %swap3A_143 {strides = array<i32>} : memref<48x128xf32, #tpu.memory_space<vmem>>, vector<1x16xf32>,
          %get3A_144 = arith.index_cast %add3A_127 : i32 to index
          %get3A_145 = arith.constant 16 : index
          %get3A_146 = tpu.vector_load %arg10[%get3A_144, %get3A_145] {strides = array<i32>} : memref<48x128xf32, #tpu.memory_space<vmem>>, vector<1x16xf32>,
          %get3A_147 = vector.shape_cast %get3A_146 : vector<1x16xf32> to vector<16xf32>
          %get3A_148 = arith.index_cast %add3A_127 : i32 to index
          %get3A_149 = arith.constant 16 : index
          %get3A_150 = tpu.vector_load %arg12[%get3A_148, %get3A_149] {strides = array<i32>} : memref<48x128xf32, #tpu.memory_space<vmem>>, vector<1x16xf32>,
          %get3A_151 = vector.shape_cast %get3A_150 : vector<1x16xf32> to vector<16xf32>
          %add3A_152 = arith.addf %get3A_147, %get3A_151 : vector<16xf32>
          %max3A_153 = arith.constant 0.000000e+00 : f32
          %max3A_154 = vector.broadcast %max3A_153 : f32 to vector<16xf32>
          %max3A_155 = arith.maximumf %add3A_152, %max3A_154 : vector<16xf32>
          %swap3A_156 = arith.index_cast %add3A_127 : i32 to index
          %swap3A_157 = arith.constant 16 : index
          %swap3A_158 = tpu.vector_load %arg10[%swap3A_156, %swap3A_157] {strides = array<i32>} : memref<48x128xf32, #tpu.memory_space<vmem>>, vector<1x16xf32>,
          %swap3A_159 = vector.shape_cast %swap3A_158 : vector<1x16xf32> to vector<16xf32>
          %swap3A_160 = vector.shape_cast %max3A_155 : vector<16xf32> to vector<1x16xf32>
          tpu.vector_store %arg10[%swap3A_156, %swap3A_157], %swap3A_160 {strides = array<i32>} : memref<48x128xf32, #tpu.memory_space<vmem>>, vector<1x16xf32>,
          %get3A_161 = arith.index_cast %add3A_127 : i32 to index
          %get3A_162 = arith.constant 32 : index
          %get3A_163 = tpu.vector_load %arg10[%get3A_161, %get3A_162] {strides = array<i32>} : memref<48x128xf32, #tpu.memory_space<vmem>>, vector<1x16xf32>,
          %get3A_164 = vector.shape_cast %get3A_163 : vector<1x16xf32> to vector<16xf32>
          %get3A_165 = arith.index_cast %add3A_127 : i32 to index
          %get3A_166 = arith.constant 32 : index
          %get3A_167 = tpu.vector_load %arg12[%get3A_165, %get3A_166] {strides = array<i32>} : memref<48x128xf32, #tpu.memory_space<vmem>>, vector<1x16xf32>,
          %get3A_168 = vector.shape_cast %get3A_167 : vector<1x16xf32> to vector<16xf32>
          %add3A_169 = arith.addf %get3A_164, %get3A_168 : vector<16xf32>
          %max3A_170 = arith.constant 0.000000e+00 : f32
          %max3A_171 = vector.broadcast %max3A_170 : f32 to vector<16xf32>
          %max3A_172 = arith.maximumf %add3A_169, %max3A_171 : vector<16xf32>
          %swap3A_173 = arith.index_cast %add3A_127 : i32 to index
          %swap3A_174 = arith.constant 32 : index
          %swap3A_175 = tpu.vector_load %arg10[%swap3A_173, %swap3A_174] {strides = array<i32>} : memref<48x128xf32, #tpu.memory_space<vmem>>, vector<1x16xf32>,
          %swap3A_176 = vector.shape_cast %swap3A_175 : vector<1x16xf32> to vector<16xf32>
          %swap3A_177 = vector.shape_cast %max3A_172 : vector<16xf32> to vector<1x16xf32>
          tpu.vector_store %arg10[%swap3A_173, %swap3A_174], %swap3A_177 {strides = array<i32>} : memref<48x128xf32, #tpu.memory_space<vmem>>, vector<1x16xf32>,
          %get3A_178 = arith.index_cast %add3A_127 : i32 to index
          %get3A_179 = arith.constant 48 : index
          %get3A_180 = tpu.vector_load %arg10[%get3A_178, %get3A_179] {strides = array<i32>} : memref<48x128xf32, #tpu.memory_space<vmem>>, vector<1x16xf32>,
          %get3A_181 = vector.shape_cast %get3A_180 : vector<1x16xf32> to vector<16xf32>
          %get3A_182 = arith.index_cast %add3A_127 : i32 to index
          %get3A_183 = arith.constant 48 : index
          %get3A_184 = tpu.vector_load %arg12[%get3A_182, %get3A_183] {strides = array<i32>} : memref<48x128xf32, #tpu.memory_space<vmem>>, vector<1x16xf32>,
          %get3A_185 = vector.shape_cast %get3A_184 : vector<1x16xf32> to vector<16xf32>
          %add3A_186 = arith.addf %get3A_181, %get3A_185 : vector<16xf32>
          %max3A_187 = arith.constant 0.000000e+00 : f32
          %max3A_188 = vector.broadcast %max3A_187 : f32 to vector<16xf32>
          %max3A_189 = arith.maximumf %add3A_186, %max3A_188 : vector<16xf32>
          %swap3A_190 = arith.index_cast %add3A_127 : i32 to index
          %swap3A_191 = arith.constant 48 : index
          %swap3A_192 = tpu.vector_load %arg10[%swap3A_190, %swap3A_191] {strides = array<i32>} : memref<48x128xf32, #tpu.memory_space<vmem>>, vector<1x16xf32>,
          %swap3A_193 = vector.shape_cast %swap3A_192 : vector<1x16xf32> to vector<16xf32>
          %swap3A_194 = vector.shape_cast %max3A_189 : vector<16xf32> to vector<1x16xf32>
          tpu.vector_store %arg10[%swap3A_190, %swap3A_191], %swap3A_194 {strides = array<i32>} : memref<48x128xf32, #tpu.memory_space<vmem>>, vector<1x16xf32>,
          %get3A_195 = arith.index_cast %add3A_127 : i32 to index
          %get3A_196 = arith.constant 64 : index
          %get3A_197 = tpu.vector_load %arg10[%get3A_195, %get3A_196] {strides = array<i32>} : memref<48x128xf32, #tpu.memory_space<vmem>>, vector<1x16xf32>,
          %get3A_198 = vector.shape_cast %get3A_197 : vector<1x16xf32> to vector<16xf32>
          %get3A_199 = arith.index_cast %add3A_127 : i32 to index
          %get3A_200 = arith.constant 64 : index
          %get3A_201 = tpu.vector_load %arg12[%get3A_199, %get3A_200] {strides = array<i32>} : memref<48x128xf32, #tpu.memory_space<vmem>>, vector<1x16xf32>,
          %get3A_202 = vector.shape_cast %get3A_201 : vector<1x16xf32> to vector<16xf32>
          %add3A_203 = arith.addf %get3A_198, %get3A_202 : vector<16xf32>
          %max3A_204 = arith.constant 0.000000e+00 : f32
          %max3A_205 = vector.broadcast %max3A_204 : f32 to vector<16xf32>
          %max3A_206 = arith.maximumf %add3A_203, %max3A_205 : vector<16xf32>
          %swap3A_207 = arith.index_cast %add3A_127 : i32 to index
          %swap3A_208 = arith.constant 64 : index
          %swap3A_209 = tpu.vector_load %arg10[%swap3A_207, %swap3A_208] {strides = array<i32>} : memref<48x128xf32, #tpu.memory_space<vmem>>, vector<1x16xf32>,
          %swap3A_210 = vector.shape_cast %swap3A_209 : vector<1x16xf32> to vector<16xf32>
          %swap3A_211 = vector.shape_cast %max3A_206 : vector<16xf32> to vector<1x16xf32>
          tpu.vector_store %arg10[%swap3A_207, %swap3A_208], %swap3A_211 {strides = array<i32>} : memref<48x128xf32, #tpu.memory_space<vmem>>, vector<1x16xf32>,
          %get3A_212 = arith.index_cast %add3A_127 : i32 to index
          %get3A_213 = arith.constant 80 : index
          %get3A_214 = tpu.vector_load %arg10[%get3A_212, %get3A_213] {strides = array<i32>} : memref<48x128xf32, #tpu.memory_space<vmem>>, vector<1x16xf32>,
          %get3A_215 = vector.shape_cast %get3A_214 : vector<1x16xf32> to vector<16xf32>
          %get3A_216 = arith.index_cast %add3A_127 : i32 to index
          %get3A_217 = arith.constant 80 : index
          %get3A_218 = tpu.vector_load %arg12[%get3A_216, %get3A_217] {strides = array<i32>} : memref<48x128xf32, #tpu.memory_space<vmem>>, vector<1x16xf32>,
          %get3A_219 = vector.shape_cast %get3A_218 : vector<1x16xf32> to vector<16xf32>
          %add3A_220 = arith.addf %get3A_215, %get3A_219 : vector<16xf32>
          %max3A_221 = arith.constant 0.000000e+00 : f32
          %max3A_222 = vector.broadcast %max3A_221 : f32 to vector<16xf32>
          %max3A_223 = arith.maximumf %add3A_220, %max3A_222 : vector<16xf32>
          %swap3A_224 = arith.index_cast %add3A_127 : i32 to index
          %swap3A_225 = arith.constant 80 : index
          %swap3A_226 = tpu.vector_load %arg10[%swap3A_224, %swap3A_225] {strides = array<i32>} : memref<48x128xf32, #tpu.memory_space<vmem>>, vector<1x16xf32>,
          %swap3A_227 = vector.shape_cast %swap3A_226 : vector<1x16xf32> to vector<16xf32>
          %swap3A_228 = vector.shape_cast %max3A_223 : vector<16xf32> to vector<1x16xf32>
          tpu.vector_store %arg10[%swap3A_224, %swap3A_225], %swap3A_228 {strides = array<i32>} : memref<48x128xf32, #tpu.memory_space<vmem>>, vector<1x16xf32>,
          %get3A_229 = arith.index_cast %add3A_127 : i32 to index
          %get3A_230 = arith.constant 96 : index
          %get3A_231 = tpu.vector_load %arg10[%get3A_229, %get3A_230] {strides = array<i32>} : memref<48x128xf32, #tpu.memory_space<vmem>>, vector<1x16xf32>,
          %get3A_232 = vector.shape_cast %get3A_231 : vector<1x16xf32> to vector<16xf32>
          %get3A_233 = arith.index_cast %add3A_127 : i32 to index
          %get3A_234 = arith.constant 96 : index
          %get3A_235 = tpu.vector_load %arg12[%get3A_233, %get3A_234] {strides = array<i32>} : memref<48x128xf32, #tpu.memory_space<vmem>>, vector<1x16xf32>,
          %get3A_236 = vector.shape_cast %get3A_235 : vector<1x16xf32> to vector<16xf32>
          %add3A_237 = arith.addf %get3A_232, %get3A_236 : vector<16xf32>
          %max3A_238 = arith.constant 0.000000e+00 : f32
          %max3A_239 = vector.broadcast %max3A_238 : f32 to vector<16xf32>
          %max3A_240 = arith.maximumf %add3A_237, %max3A_239 : vector<16xf32>
          %swap3A_241 = arith.index_cast %add3A_127 : i32 to index
          %swap3A_242 = arith.constant 96 : index
          %swap3A_243 = tpu.vector_load %arg10[%swap3A_241, %swap3A_242] {strides = array<i32>} : memref<48x128xf32, #tpu.memory_space<vmem>>, vector<1x16xf32>,
          %swap3A_244 = vector.shape_cast %swap3A_243 : vector<1x16xf32> to vector<16xf32>
          %swap3A_245 = vector.shape_cast %max3A_240 : vector<16xf32> to vector<1x16xf32>
          tpu.vector_store %arg10[%swap3A_241, %swap3A_242], %swap3A_245 {strides = array<i32>} : memref<48x128xf32, #tpu.memory_space<vmem>>, vector<1x16xf32>,
          %get3A_246 = arith.index_cast %add3A_127 : i32 to index
          %get3A_247 = arith.constant 112 : index
          %get3A_248 = tpu.vector_load %arg10[%get3A_246, %get3A_247] {strides = array<i32>} : memref<48x128xf32, #tpu.memory_space<vmem>>, vector<1x16xf32>,
          %get3A_249 = vector.shape_cast %get3A_248 : vector<1x16xf32> to vector<16xf32>
          %get3A_250 = arith.index_cast %add3A_127 : i32 to index
          %get3A_251 = arith.constant 112 : index
          %get3A_252 = tpu.vector_load %arg12[%get3A_250, %get3A_251] {strides = array<i32>} : memref<48x128xf32, #tpu.memory_space<vmem>>, vector<1x16xf32>,
          %get3A_253 = vector.shape_cast %get3A_252 : vector<1x16xf32> to vector<16xf32>
          %add3A_254 = arith.addf %get3A_249, %get3A_253 : vector<16xf32>
          %max3A_255 = arith.constant 0.000000e+00 : f32
          %max3A_256 = vector.broadcast %max3A_255 : f32 to vector<16xf32>
          %max3A_257 = arith.maximumf %add3A_254, %max3A_256 : vector<16xf32>
          %swap3A_258 = arith.index_cast %add3A_127 : i32 to index
          %swap3A_259 = arith.constant 112 : index
          %swap3A_260 = tpu.vector_load %arg10[%swap3A_258, %swap3A_259] {strides = array<i32>} : memref<48x128xf32, #tpu.memory_space<vmem>>, vector<1x16xf32>,
          %swap3A_261 = vector.shape_cast %swap3A_260 : vector<1x16xf32> to vector<16xf32>
          %swap3A_262 = vector.shape_cast %max3A_257 : vector<16xf32> to vector<1x16xf32>
          tpu.vector_store %arg10[%swap3A_258, %swap3A_259], %swap3A_262 {strides = array<i32>} : memref<48x128xf32, #tpu.memory_space<vmem>>, vector<1x16xf32>,
          %mul3A_263 = arith.constant 4 : i32
          %mul3A_264 = arith.muli %scan3A_122, %mul3A_263 : i32
          %add3A_265 = arith.constant 1 : i32
          %add3A_266 = arith.addi %mul3A_264, %add3A_265 : i32
          %get3A_267 = arith.index_cast %add3A_266 : i32 to index
          %get3A_268 = arith.constant 0 : index
          %get3A_269 = tpu.vector_load %arg10[%get3A_267, %get3A_268] {strides = array<i32>} : memref<48x128xf32, #tpu.memory_space<vmem>>, vector<1x16xf32>,
          %get3A_270 = vector.shape_cast %get3A_269 : vector<1x16xf32> to vector<16xf32>
          %get3A_271 = arith.index_cast %add3A_266 : i32 to index
          %get3A_272 = arith.constant 0 : index
          %get3A_273 = tpu.vector_load %arg12[%get3A_271, %get3A_272] {strides = array<i32>} : memref<48x128xf32, #tpu.memory_space<vmem>>, vector<1x16xf32>,
          %get3A_274 = vector.shape_cast %get3A_273 : vector<1x16xf32> to vector<16xf32>
          %add3A_275 = arith.addf %get3A_270, %get3A_274 : vector<16xf32>
          %max3A_276 = arith.constant 0.000000e+00 : f32
          %max3A_277 = vector.broadcast %max3A_276 : f32 to vector<16xf32>
          %max3A_278 = arith.maximumf %add3A_275, %max3A_277 : vector<16xf32>
          %swap3A_279 = arith.index_cast %add3A_266 : i32 to index
          %swap3A_280 = arith.constant 0 : index
          %swap3A_281 = tpu.vector_load %arg10[%swap3A_279, %swap3A_280] {strides = array<i32>} : memref<48x128xf32, #tpu.memory_space<vmem>>, vector<1x16xf32>,
          %swap3A_282 = vector.shape_cast %swap3A_281 : vector<1x16xf32> to vector<16xf32>
          %swap3A_283 = vector.shape_cast %max3A_278 : vector<16xf32> to vector<1x16xf32>
          tpu.vector_store %arg10[%swap3A_279, %swap3A_280], %swap3A_283 {strides = array<i32>} : memref<48x128xf32, #tpu.memory_space<vmem>>, vector<1x16xf32>,
          %get3A_284 = arith.index_cast %add3A_266 : i32 to index
          %get3A_285 = arith.constant 16 : index
          %get3A_286 = tpu.vector_load %arg10[%get3A_284, %get3A_285] {strides = array<i32>} : memref<48x128xf32, #tpu.memory_space<vmem>>, vector<1x16xf32>,
          %get3A_287 = vector.shape_cast %get3A_286 : vector<1x16xf32> to vector<16xf32>
          %get3A_288 = arith.index_cast %add3A_266 : i32 to index
          %get3A_289 = arith.constant 16 : index
          %get3A_290 = tpu.vector_load %arg12[%get3A_288, %get3A_289] {strides = array<i32>} : memref<48x128xf32, #tpu.memory_space<vmem>>, vector<1x16xf32>,
          %get3A_291 = vector.shape_cast %get3A_290 : vector<1x16xf32> to vector<16xf32>
          %add3A_292 = arith.addf %get3A_287, %get3A_291 : vector<16xf32>
          %max3A_293 = arith.constant 0.000000e+00 : f32
          %max3A_294 = vector.broadcast %max3A_293 : f32 to vector<16xf32>
          %max3A_295 = arith.maximumf %add3A_292, %max3A_294 : vector<16xf32>
          %swap3A_296 = arith.index_cast %add3A_266 : i32 to index
          %swap3A_297 = arith.constant 16 : index
          %swap3A_298 = tpu.vector_load %arg10[%swap3A_296, %swap3A_297] {strides = array<i32>} : memref<48x128xf32, #tpu.memory_space<vmem>>, vector<1x16xf32>,
          %swap3A_299 = vector.shape_cast %swap3A_298 : vector<1x16xf32> to vector<16xf32>
          %swap3A_300 = vector.shape_cast %max3A_295 : vector<16xf32> to vector<1x16xf32>
          tpu.vector_store %arg10[%swap3A_296, %swap3A_297], %swap3A_300 {strides = array<i32>} : memref<48x128xf32, #tpu.memory_space<vmem>>, vector<1x16xf32>,
          %get3A_301 = arith.index_cast %add3A_266 : i32 to index
          %get3A_302 = arith.constant 32 : index
          %get3A_303 = tpu.vector_load %arg10[%get3A_301, %get3A_302] {strides = array<i32>} : memref<48x128xf32, #tpu.memory_space<vmem>>, vector<1x16xf32>,
          %get3A_304 = vector.shape_cast %get3A_303 : vector<1x16xf32> to vector<16xf32>
          %get3A_305 = arith.index_cast %add3A_266 : i32 to index
          %get3A_306 = arith.constant 32 : index
          %get3A_307 = tpu.vector_load %arg12[%get3A_305, %get3A_306] {strides = array<i32>} : memref<48x128xf32, #tpu.memory_space<vmem>>, vector<1x16xf32>,
          %get3A_308 = vector.shape_cast %get3A_307 : vector<1x16xf32> to vector<16xf32>
          %add3A_309 = arith.addf %get3A_304, %get3A_308 : vector<16xf32>
          %max3A_310 = arith.constant 0.000000e+00 : f32
          %max3A_311 = vector.broadcast %max3A_310 : f32 to vector<16xf32>
          %max3A_312 = arith.maximumf %add3A_309, %max3A_311 : vector<16xf32>
          %swap3A_313 = arith.index_cast %add3A_266 : i32 to index
          %swap3A_314 = arith.constant 32 : index
          %swap3A_315 = tpu.vector_load %arg10[%swap3A_313, %swap3A_314] {strides = array<i32>} : memref<48x128xf32, #tpu.memory_space<vmem>>, vector<1x16xf32>,
          %swap3A_316 = vector.shape_cast %swap3A_315 : vector<1x16xf32> to vector<16xf32>
          %swap3A_317 = vector.shape_cast %max3A_312 : vector<16xf32> to vector<1x16xf32>
          tpu.vector_store %arg10[%swap3A_313, %swap3A_314], %swap3A_317 {strides = array<i32>} : memref<48x128xf32, #tpu.memory_space<vmem>>, vector<1x16xf32>,
          %get3A_318 = arith.index_cast %add3A_266 : i32 to index
          %get3A_319 = arith.constant 48 : index
          %get3A_320 = tpu.vector_load %arg10[%get3A_318, %get3A_319] {strides = array<i32>} : memref<48x128xf32, #tpu.memory_space<vmem>>, vector<1x16xf32>,
          %get3A_321 = vector.shape_cast %get3A_320 : vector<1x16xf32> to vector<16xf32>
          %get3A_322 = arith.index_cast %add3A_266 : i32 to index
          %get3A_323 = arith.constant 48 : index
          %get3A_324 = tpu.vector_load %arg12[%get3A_322, %get3A_323] {strides = array<i32>} : memref<48x128xf32, #tpu.memory_space<vmem>>, vector<1x16xf32>,
          %get3A_325 = vector.shape_cast %get3A_324 : vector<1x16xf32> to vector<16xf32>
          %add3A_326 = arith.addf %get3A_321, %get3A_325 : vector<16xf32>
          %max3A_327 = arith.constant 0.000000e+00 : f32
          %max3A_328 = vector.broadcast %max3A_327 : f32 to vector<16xf32>
          %max3A_329 = arith.maximumf %add3A_326, %max3A_328 : vector<16xf32>
          %swap3A_330 = arith.index_cast %add3A_266 : i32 to index
          %swap3A_331 = arith.constant 48 : index
          %swap3A_332 = tpu.vector_load %arg10[%swap3A_330, %swap3A_331] {strides = array<i32>} : memref<48x128xf32, #tpu.memory_space<vmem>>, vector<1x16xf32>,
          %swap3A_333 = vector.shape_cast %swap3A_332 : vector<1x16xf32> to vector<16xf32>
          %swap3A_334 = vector.shape_cast %max3A_329 : vector<16xf32> to vector<1x16xf32>
          tpu.vector_store %arg10[%swap3A_330, %swap3A_331], %swap3A_334 {strides = array<i32>} : memref<48x128xf32, #tpu.memory_space<vmem>>, vector<1x16xf32>,
          %get3A_335 = arith.index_cast %add3A_266 : i32 to index
          %get3A_336 = arith.constant 64 : index
          %get3A_337 = tpu.vector_load %arg10[%get3A_335, %get3A_336] {strides = array<i32>} : memref<48x128xf32, #tpu.memory_space<vmem>>, vector<1x16xf32>,
          %get3A_338 = vector.shape_cast %get3A_337 : vector<1x16xf32> to vector<16xf32>
          %get3A_339 = arith.index_cast %add3A_266 : i32 to index
          %get3A_340 = arith.constant 64 : index
          %get3A_341 = tpu.vector_load %arg12[%get3A_339, %get3A_340] {strides = array<i32>} : memref<48x128xf32, #tpu.memory_space<vmem>>, vector<1x16xf32>,
          %get3A_342 = vector.shape_cast %get3A_341 : vector<1x16xf32> to vector<16xf32>
          %add3A_343 = arith.addf %get3A_338, %get3A_342 : vector<16xf32>
          %max3A_344 = arith.constant 0.000000e+00 : f32
          %max3A_345 = vector.broadcast %max3A_344 : f32 to vector<16xf32>
          %max3A_346 = arith.maximumf %add3A_343, %max3A_345 : vector<16xf32>
          %swap3A_347 = arith.index_cast %add3A_266 : i32 to index
          %swap3A_348 = arith.constant 64 : index
          %swap3A_349 = tpu.vector_load %arg10[%swap3A_347, %swap3A_348] {strides = array<i32>} : memref<48x128xf32, #tpu.memory_space<vmem>>, vector<1x16xf32>,
          %swap3A_350 = vector.shape_cast %swap3A_349 : vector<1x16xf32> to vector<16xf32>
          %swap3A_351 = vector.shape_cast %max3A_346 : vector<16xf32> to vector<1x16xf32>
          tpu.vector_store %arg10[%swap3A_347, %swap3A_348], %swap3A_351 {strides = array<i32>} : memref<48x128xf32, #tpu.memory_space<vmem>>, vector<1x16xf32>,
          %get3A_352 = arith.index_cast %add3A_266 : i32 to index
          %get3A_353 = arith.constant 80 : index
          %get3A_354 = tpu.vector_load %arg10[%get3A_352, %get3A_353] {strides = array<i32>} : memref<48x128xf32, #tpu.memory_space<vmem>>, vector<1x16xf32>,
          %get3A_355 = vector.shape_cast %get3A_354 : vector<1x16xf32> to vector<16xf32>
          %get3A_356 = arith.index_cast %add3A_266 : i32 to index
          %get3A_357 = arith.constant 80 : index
          %get3A_358 = tpu.vector_load %arg12[%get3A_356, %get3A_357] {strides = array<i32>} : memref<48x128xf32, #tpu.memory_space<vmem>>, vector<1x16xf32>,
          %get3A_359 = vector.shape_cast %get3A_358 : vector<1x16xf32> to vector<16xf32>
          %add3A_360 = arith.addf %get3A_355, %get3A_359 : vector<16xf32>
          %max3A_361 = arith.constant 0.000000e+00 : f32
          %max3A_362 = vector.broadcast %max3A_361 : f32 to vector<16xf32>
          %max3A_363 = arith.maximumf %add3A_360, %max3A_362 : vector<16xf32>
          %swap3A_364 = arith.index_cast %add3A_266 : i32 to index
          %swap3A_365 = arith.constant 80 : index
          %swap3A_366 = tpu.vector_load %arg10[%swap3A_364, %swap3A_365] {strides = array<i32>} : memref<48x128xf32, #tpu.memory_space<vmem>>, vector<1x16xf32>,
          %swap3A_367 = vector.shape_cast %swap3A_366 : vector<1x16xf32> to vector<16xf32>
          %swap3A_368 = vector.shape_cast %max3A_363 : vector<16xf32> to vector<1x16xf32>
          tpu.vector_store %arg10[%swap3A_364, %swap3A_365], %swap3A_368 {strides = array<i32>} : memref<48x128xf32, #tpu.memory_space<vmem>>, vector<1x16xf32>,
          %get3A_369 = arith.index_cast %add3A_266 : i32 to index
          %get3A_370 = arith.constant 96 : index
          %get3A_371 = tpu.vector_load %arg10[%get3A_369, %get3A_370] {strides = array<i32>} : memref<48x128xf32, #tpu.memory_space<vmem>>, vector<1x16xf32>,
          %get3A_372 = vector.shape_cast %get3A_371 : vector<1x16xf32> to vector<16xf32>
          %get3A_373 = arith.index_cast %add3A_266 : i32 to index
          %get3A_374 = arith.constant 96 : index
          %get3A_375 = tpu.vector_load %arg12[%get3A_373, %get3A_374] {strides = array<i32>} : memref<48x128xf32, #tpu.memory_space<vmem>>, vector<1x16xf32>,
          %get3A_376 = vector.shape_cast %get3A_375 : vector<1x16xf32> to vector<16xf32>
          %add3A_377 = arith.addf %get3A_372, %get3A_376 : vector<16xf32>
          %max3A_378 = arith.constant 0.000000e+00 : f32
          %max3A_379 = vector.broadcast %max3A_378 : f32 to vector<16xf32>
          %max3A_380 = arith.maximumf %add3A_377, %max3A_379 : vector<16xf32>
          %swap3A_381 = arith.index_cast %add3A_266 : i32 to index
          %swap3A_382 = arith.constant 96 : index
          %swap3A_383 = tpu.vector_load %arg10[%swap3A_381, %swap3A_382] {strides = array<i32>} : memref<48x128xf32, #tpu.memory_space<vmem>>, vector<1x16xf32>,
          %swap3A_384 = vector.shape_cast %swap3A_383 : vector<1x16xf32> to vector<16xf32>
          %swap3A_385 = vector.shape_cast %max3A_380 : vector<16xf32> to vector<1x16xf32>
          tpu.vector_store %arg10[%swap3A_381, %swap3A_382], %swap3A_385 {strides = array<i32>} : memref<48x128xf32, #tpu.memory_space<vmem>>, vector<1x16xf32>,
          %get3A_386 = arith.index_cast %add3A_266 : i32 to index
          %get3A_387 = arith.constant 112 : index
          %get3A_388 = tpu.vector_load %arg10[%get3A_386, %get3A_387] {strides = array<i32>} : memref<48x128xf32, #tpu.memory_space<vmem>>, vector<1x16xf32>,
          %get3A_389 = vector.shape_cast %get3A_388 : vector<1x16xf32> to vector<16xf32>
          %get3A_390 = arith.index_cast %add3A_266 : i32 to index
          %get3A_391 = arith.constant 112 : index
          %get3A_392 = tpu.vector_load %arg12[%get3A_390, %get3A_391] {strides = array<i32>} : memref<48x128xf32, #tpu.memory_space<vmem>>, vector<1x16xf32>,
          %get3A_393 = vector.shape_cast %get3A_392 : vector<1x16xf32> to vector<16xf32>
          %add3A_394 = arith.addf %get3A_389, %get3A_393 : vector<16xf32>
          %max3A_395 = arith.constant 0.000000e+00 : f32
          %max3A_396 = vector.broadcast %max3A_395 : f32 to vector<16xf32>
          %max3A_397 = arith.maximumf %add3A_394, %max3A_396 : vector<16xf32>
          %swap3A_398 = arith.index_cast %add3A_266 : i32 to index
          %swap3A_399 = arith.constant 112 : index
          %swap3A_400 = tpu.vector_load %arg10[%swap3A_398, %swap3A_399] {strides = array<i32>} : memref<48x128xf32, #tpu.memory_space<vmem>>, vector<1x16xf32>,
          %swap3A_401 = vector.shape_cast %swap3A_400 : vector<1x16xf32> to vector<16xf32>
          %swap3A_402 = vector.shape_cast %max3A_397 : vector<16xf32> to vector<1x16xf32>
          tpu.vector_store %arg10[%swap3A_398, %swap3A_399], %swap3A_402 {strides = array<i32>} : memref<48x128xf32, #tpu.memory_space<vmem>>, vector<1x16xf32>,
          %mul3A_403 = arith.constant 4 : i32
          %mul3A_404 = arith.muli %scan3A_122, %mul3A_403 : i32
          %add3A_405 = arith.constant 2 : i32
          %add3A_406 = arith.addi %mul3A_404, %add3A_405 : i32
          %get3A_407 = arith.index_cast %add3A_406 : i32 to index
          %get3A_408 = arith.constant 0 : index
          %get3A_409 = tpu.vector_load %arg10[%get3A_407, %get3A_408] {strides = array<i32>} : memref<48x128xf32, #tpu.memory_space<vmem>>, vector<1x16xf32>,
          %get3A_410 = vector.shape_cast %get3A_409 : vector<1x16xf32> to vector<16xf32>
          %get3A_411 = arith.index_cast %add3A_406 : i32 to index
          %get3A_412 = arith.constant 0 : index
          %get3A_413 = tpu.vector_load %arg12[%get3A_411, %get3A_412] {strides = array<i32>} : memref<48x128xf32, #tpu.memory_space<vmem>>, vector<1x16xf32>,
          %get3A_414 = vector.shape_cast %get3A_413 : vector<1x16xf32> to vector<16xf32>
          %add3A_415 = arith.addf %get3A_410, %get3A_414 : vector<16xf32>
          %max3A_416 = arith.constant 0.000000e+00 : f32
          %max3A_417 = vector.broadcast %max3A_416 : f32 to vector<16xf32>
          %max3A_418 = arith.maximumf %add3A_415, %max3A_417 : vector<16xf32>
          %swap3A_419 = arith.index_cast %add3A_406 : i32 to index
          %swap3A_420 = arith.constant 0 : index
          %swap3A_421 = tpu.vector_load %arg10[%swap3A_419, %swap3A_420] {strides = array<i32>} : memref<48x128xf32, #tpu.memory_space<vmem>>, vector<1x16xf32>,
          %swap3A_422 = vector.shape_cast %swap3A_421 : vector<1x16xf32> to vector<16xf32>
          %swap3A_423 = vector.shape_cast %max3A_418 : vector<16xf32> to vector<1x16xf32>
          tpu.vector_store %arg10[%swap3A_419, %swap3A_420], %swap3A_423 {strides = array<i32>} : memref<48x128xf32, #tpu.memory_space<vmem>>, vector<1x16xf32>,
          %get3A_424 = arith.index_cast %add3A_406 : i32 to index
          %get3A_425 = arith.constant 16 : index
          %get3A_426 = tpu.vector_load %arg10[%get3A_424, %get3A_425] {strides = array<i32>} : memref<48x128xf32, #tpu.memory_space<vmem>>, vector<1x16xf32>,
          %get3A_427 = vector.shape_cast %get3A_426 : vector<1x16xf32> to vector<16xf32>
          %get3A_428 = arith.index_cast %add3A_406 : i32 to index
          %get3A_429 = arith.constant 16 : index
          %get3A_430 = tpu.vector_load %arg12[%get3A_428, %get3A_429] {strides = array<i32>} : memref<48x128xf32, #tpu.memory_space<vmem>>, vector<1x16xf32>,
          %get3A_431 = vector.shape_cast %get3A_430 : vector<1x16xf32> to vector<16xf32>
          %add3A_432 = arith.addf %get3A_427, %get3A_431 : vector<16xf32>
          %max3A_433 = arith.constant 0.000000e+00 : f32
          %max3A_434 = vector.broadcast %max3A_433 : f32 to vector<16xf32>
          %max3A_435 = arith.maximumf %add3A_432, %max3A_434 : vector<16xf32>
          %swap3A_436 = arith.index_cast %add3A_406 : i32 to index
          %swap3A_437 = arith.constant 16 : index
          %swap3A_438 = tpu.vector_load %arg10[%swap3A_436, %swap3A_437] {strides = array<i32>} : memref<48x128xf32, #tpu.memory_space<vmem>>, vector<1x16xf32>,
          %swap3A_439 = vector.shape_cast %swap3A_438 : vector<1x16xf32> to vector<16xf32>
          %swap3A_440 = vector.shape_cast %max3A_435 : vector<16xf32> to vector<1x16xf32>
          tpu.vector_store %arg10[%swap3A_436, %swap3A_437], %swap3A_440 {strides = array<i32>} : memref<48x128xf32, #tpu.memory_space<vmem>>, vector<1x16xf32>,
          %get3A_441 = arith.index_cast %add3A_406 : i32 to index
          %get3A_442 = arith.constant 32 : index
          %get3A_443 = tpu.vector_load %arg10[%get3A_441, %get3A_442] {strides = array<i32>} : memref<48x128xf32, #tpu.memory_space<vmem>>, vector<1x16xf32>,
          %get3A_444 = vector.shape_cast %get3A_443 : vector<1x16xf32> to vector<16xf32>
          %get3A_445 = arith.index_cast %add3A_406 : i32 to index
          %get3A_446 = arith.constant 32 : index
          %get3A_447 = tpu.vector_load %arg12[%get3A_445, %get3A_446] {strides = array<i32>} : memref<48x128xf32, #tpu.memory_space<vmem>>, vector<1x16xf32>,
          %get3A_448 = vector.shape_cast %get3A_447 : vector<1x16xf32> to vector<16xf32>
          %add3A_449 = arith.addf %get3A_444, %get3A_448 : vector<16xf32>
          %max3A_450 = arith.constant 0.000000e+00 : f32
          %max3A_451 = vector.broadcast %max3A_450 : f32 to vector<16xf32>
          %max3A_452 = arith.maximumf %add3A_449, %max3A_451 : vector<16xf32>
          %swap3A_453 = arith.index_cast %add3A_406 : i32 to index
          %swap3A_454 = arith.constant 32 : index
          %swap3A_455 = tpu.vector_load %arg10[%swap3A_453, %swap3A_454] {strides = array<i32>} : memref<48x128xf32, #tpu.memory_space<vmem>>, vector<1x16xf32>,
          %swap3A_456 = vector.shape_cast %swap3A_455 : vector<1x16xf32> to vector<16xf32>
          %swap3A_457 = vector.shape_cast %max3A_452 : vector<16xf32> to vector<1x16xf32>
          tpu.vector_store %arg10[%swap3A_453, %swap3A_454], %swap3A_457 {strides = array<i32>} : memref<48x128xf32, #tpu.memory_space<vmem>>, vector<1x16xf32>,
          %get3A_458 = arith.index_cast %add3A_406 : i32 to index
          %get3A_459 = arith.constant 48 : index
          %get3A_460 = tpu.vector_load %arg10[%get3A_458, %get3A_459] {strides = array<i32>} : memref<48x128xf32, #tpu.memory_space<vmem>>, vector<1x16xf32>,
          %get3A_461 = vector.shape_cast %get3A_460 : vector<1x16xf32> to vector<16xf32>
          %get3A_462 = arith.index_cast %add3A_406 : i32 to index
          %get3A_463 = arith.constant 48 : index
          %get3A_464 = tpu.vector_load %arg12[%get3A_462, %get3A_463] {strides = array<i32>} : memref<48x128xf32, #tpu.memory_space<vmem>>, vector<1x16xf32>,
          %get3A_465 = vector.shape_cast %get3A_464 : vector<1x16xf32> to vector<16xf32>
          %add3A_466 = arith.addf %get3A_461, %get3A_465 : vector<16xf32>
          %max3A_467 = arith.constant 0.000000e+00 : f32
          %max3A_468 = vector.broadcast %max3A_467 : f32 to vector<16xf32>
          %max3A_469 = arith.maximumf %add3A_466, %max3A_468 : vector<16xf32>
          %swap3A_470 = arith.index_cast %add3A_406 : i32 to index
          %swap3A_471 = arith.constant 48 : index
          %swap3A_472 = tpu.vector_load %arg10[%swap3A_470, %swap3A_471] {strides = array<i32>} : memref<48x128xf32, #tpu.memory_space<vmem>>, vector<1x16xf32>,
          %swap3A_473 = vector.shape_cast %swap3A_472 : vector<1x16xf32> to vector<16xf32>
          %swap3A_474 = vector.shape_cast %max3A_469 : vector<16xf32> to vector<1x16xf32>
          tpu.vector_store %arg10[%swap3A_470, %swap3A_471], %swap3A_474 {strides = array<i32>} : memref<48x128xf32, #tpu.memory_space<vmem>>, vector<1x16xf32>,
          %get3A_475 = arith.index_cast %add3A_406 : i32 to index
          %get3A_476 = arith.constant 64 : index
          %get3A_477 = tpu.vector_load %arg10[%get3A_475, %get3A_476] {strides = array<i32>} : memref<48x128xf32, #tpu.memory_space<vmem>>, vector<1x16xf32>,
          %get3A_478 = vector.shape_cast %get3A_477 : vector<1x16xf32> to vector<16xf32>
          %get3A_479 = arith.index_cast %add3A_406 : i32 to index
          %get3A_480 = arith.constant 64 : index
          %get3A_481 = tpu.vector_load %arg12[%get3A_479, %get3A_480] {strides = array<i32>} : memref<48x128xf32, #tpu.memory_space<vmem>>, vector<1x16xf32>,
          %get3A_482 = vector.shape_cast %get3A_481 : vector<1x16xf32> to vector<16xf32>
          %add3A_483 = arith.addf %get3A_478, %get3A_482 : vector<16xf32>
          %max3A_484 = arith.constant 0.000000e+00 : f32
          %max3A_485 = vector.broadcast %max3A_484 : f32 to vector<16xf32>
          %max3A_486 = arith.maximumf %add3A_483, %max3A_485 : vector<16xf32>
          %swap3A_487 = arith.index_cast %add3A_406 : i32 to index
          %swap3A_488 = arith.constant 64 : index
          %swap3A_489 = tpu.vector_load %arg10[%swap3A_487, %swap3A_488] {strides = array<i32>} : memref<48x128xf32, #tpu.memory_space<vmem>>, vector<1x16xf32>,
          %swap3A_490 = vector.shape_cast %swap3A_489 : vector<1x16xf32> to vector<16xf32>
          %swap3A_491 = vector.shape_cast %max3A_486 : vector<16xf32> to vector<1x16xf32>
          tpu.vector_store %arg10[%swap3A_487, %swap3A_488], %swap3A_491 {strides = array<i32>} : memref<48x128xf32, #tpu.memory_space<vmem>>, vector<1x16xf32>,
          %get3A_492 = arith.index_cast %add3A_406 : i32 to index
          %get3A_493 = arith.constant 80 : index
          %get3A_494 = tpu.vector_load %arg10[%get3A_492, %get3A_493] {strides = array<i32>} : memref<48x128xf32, #tpu.memory_space<vmem>>, vector<1x16xf32>,
          %get3A_495 = vector.shape_cast %get3A_494 : vector<1x16xf32> to vector<16xf32>
          %get3A_496 = arith.index_cast %add3A_406 : i32 to index
          %get3A_497 = arith.constant 80 : index
          %get3A_498 = tpu.vector_load %arg12[%get3A_496, %get3A_497] {strides = array<i32>} : memref<48x128xf32, #tpu.memory_space<vmem>>, vector<1x16xf32>,
          %get3A_499 = vector.shape_cast %get3A_498 : vector<1x16xf32> to vector<16xf32>
          %add3A_500 = arith.addf %get3A_495, %get3A_499 : vector<16xf32>
          %max3A_501 = arith.constant 0.000000e+00 : f32
          %max3A_502 = vector.broadcast %max3A_501 : f32 to vector<16xf32>
          %max3A_503 = arith.maximumf %add3A_500, %max3A_502 : vector<16xf32>
          %swap3A_504 = arith.index_cast %add3A_406 : i32 to index
          %swap3A_505 = arith.constant 80 : index
          %swap3A_506 = tpu.vector_load %arg10[%swap3A_504, %swap3A_505] {strides = array<i32>} : memref<48x128xf32, #tpu.memory_space<vmem>>, vector<1x16xf32>,
          %swap3A_507 = vector.shape_cast %swap3A_506 : vector<1x16xf32> to vector<16xf32>
          %swap3A_508 = vector.shape_cast %max3A_503 : vector<16xf32> to vector<1x16xf32>
          tpu.vector_store %arg10[%swap3A_504, %swap3A_505], %swap3A_508 {strides = array<i32>} : memref<48x128xf32, #tpu.memory_space<vmem>>, vector<1x16xf32>,
          %get3A_509 = arith.index_cast %add3A_406 : i32 to index
          %get3A_510 = arith.constant 96 : index
          %get3A_511 = tpu.vector_load %arg10[%get3A_509, %get3A_510] {strides = array<i32>} : memref<48x128xf32, #tpu.memory_space<vmem>>, vector<1x16xf32>,
          %get3A_512 = vector.shape_cast %get3A_511 : vector<1x16xf32> to vector<16xf32>
          %get3A_513 = arith.index_cast %add3A_406 : i32 to index
          %get3A_514 = arith.constant 96 : index
          %get3A_515 = tpu.vector_load %arg12[%get3A_513, %get3A_514] {strides = array<i32>} : memref<48x128xf32, #tpu.memory_space<vmem>>, vector<1x16xf32>,
          %get3A_516 = vector.shape_cast %get3A_515 : vector<1x16xf32> to vector<16xf32>
          %add3A_517 = arith.addf %get3A_512, %get3A_516 : vector<16xf32>
          %max3A_518 = arith.constant 0.000000e+00 : f32
          %max3A_519 = vector.broadcast %max3A_518 : f32 to vector<16xf32>
          %max3A_520 = arith.maximumf %add3A_517, %max3A_519 : vector<16xf32>
          %swap3A_521 = arith.index_cast %add3A_406 : i32 to index
          %swap3A_522 = arith.constant 96 : index
          %swap3A_523 = tpu.vector_load %arg10[%swap3A_521, %swap3A_522] {strides = array<i32>} : memref<48x128xf32, #tpu.memory_space<vmem>>, vector<1x16xf32>,
          %swap3A_524 = vector.shape_cast %swap3A_523 : vector<1x16xf32> to vector<16xf32>
          %swap3A_525 = vector.shape_cast %max3A_520 : vector<16xf32> to vector<1x16xf32>
          tpu.vector_store %arg10[%swap3A_521, %swap3A_522], %swap3A_525 {strides = array<i32>} : memref<48x128xf32, #tpu.memory_space<vmem>>, vector<1x16xf32>,
          %get3A_526 = arith.index_cast %add3A_406 : i32 to index
          %get3A_527 = arith.constant 112 : index
          %get3A_528 = tpu.vector_load %arg10[%get3A_526, %get3A_527] {strides = array<i32>} : memref<48x128xf32, #tpu.memory_space<vmem>>, vector<1x16xf32>,
          %get3A_529 = vector.shape_cast %get3A_528 : vector<1x16xf32> to vector<16xf32>
          %get3A_530 = arith.index_cast %add3A_406 : i32 to index
          %get3A_531 = arith.constant 112 : index
          %get3A_532 = tpu.vector_load %arg12[%get3A_530, %get3A_531] {strides = array<i32>} : memref<48x128xf32, #tpu.memory_space<vmem>>, vector<1x16xf32>,
          %get3A_533 = vector.shape_cast %get3A_532 : vector<1x16xf32> to vector<16xf32>
          %add3A_534 = arith.addf %get3A_529, %get3A_533 : vector<16xf32>
          %max3A_535 = arith.constant 0.000000e+00 : f32
          %max3A_536 = vector.broadcast %max3A_535 : f32 to vector<16xf32>
          %max3A_537 = arith.maximumf %add3A_534, %max3A_536 : vector<16xf32>
          %swap3A_538 = arith.index_cast %add3A_406 : i32 to index
          %swap3A_539 = arith.constant 112 : index
          %swap3A_540 = tpu.vector_load %arg10[%swap3A_538, %swap3A_539] {strides = array<i32>} : memref<48x128xf32, #tpu.memory_space<vmem>>, vector<1x16xf32>,
          %swap3A_541 = vector.shape_cast %swap3A_540 : vector<1x16xf32> to vector<16xf32>
          %swap3A_542 = vector.shape_cast %max3A_537 : vector<16xf32> to vector<1x16xf32>
          tpu.vector_store %arg10[%swap3A_538, %swap3A_539], %swap3A_542 {strides = array<i32>} : memref<48x128xf32, #tpu.memory_space<vmem>>, vector<1x16xf32>,
          %mul3A_543 = arith.constant 4 : i32
          %mul3A_544 = arith.muli %scan3A_122, %mul3A_543 : i32
          %add3A_545 = arith.constant 3 : i32
          %add3A_546 = arith.addi %mul3A_544, %add3A_545 : i32
          %get3A_547 = arith.index_cast %add3A_546 : i32 to index
          %get3A_548 = arith.constant 0 : index
          %get3A_549 = tpu.vector_load %arg10[%get3A_547, %get3A_548] {strides = array<i32>} : memref<48x128xf32, #tpu.memory_space<vmem>>, vector<1x16xf32>,
          %get3A_550 = vector.shape_cast %get3A_549 : vector<1x16xf32> to vector<16xf32>
          %get3A_551 = arith.index_cast %add3A_546 : i32 to index
          %get3A_552 = arith.constant 0 : index
          %get3A_553 = tpu.vector_load %arg12[%get3A_551, %get3A_552] {strides = array<i32>} : memref<48x128xf32, #tpu.memory_space<vmem>>, vector<1x16xf32>,
          %get3A_554 = vector.shape_cast %get3A_553 : vector<1x16xf32> to vector<16xf32>
          %add3A_555 = arith.addf %get3A_550, %get3A_554 : vector<16xf32>
          %max3A_556 = arith.constant 0.000000e+00 : f32
          %max3A_557 = vector.broadcast %max3A_556 : f32 to vector<16xf32>
          %max3A_558 = arith.maximumf %add3A_555, %max3A_557 : vector<16xf32>
          %swap3A_559 = arith.index_cast %add3A_546 : i32 to index
          %swap3A_560 = arith.constant 0 : index
          %swap3A_561 = tpu.vector_load %arg10[%swap3A_559, %swap3A_560] {strides = array<i32>} : memref<48x128xf32, #tpu.memory_space<vmem>>, vector<1x16xf32>,
          %swap3A_562 = vector.shape_cast %swap3A_561 : vector<1x16xf32> to vector<16xf32>
          %swap3A_563 = vector.shape_cast %max3A_558 : vector<16xf32> to vector<1x16xf32>
          tpu.vector_store %arg10[%swap3A_559, %swap3A_560], %swap3A_563 {strides = array<i32>} : memref<48x128xf32, #tpu.memory_space<vmem>>, vector<1x16xf32>,
          %get3A_564 = arith.index_cast %add3A_546 : i32 to index
          %get3A_565 = arith.constant 16 : index
          %get3A_566 = tpu.vector_load %arg10[%get3A_564, %get3A_565] {strides = array<i32>} : memref<48x128xf32, #tpu.memory_space<vmem>>, vector<1x16xf32>,
          %get3A_567 = vector.shape_cast %get3A_566 : vector<1x16xf32> to vector<16xf32>
          %get3A_568 = arith.index_cast %add3A_546 : i32 to index
          %get3A_569 = arith.constant 16 : index
          %get3A_570 = tpu.vector_load %arg12[%get3A_568, %get3A_569] {strides = array<i32>} : memref<48x128xf32, #tpu.memory_space<vmem>>, vector<1x16xf32>,
          %get3A_571 = vector.shape_cast %get3A_570 : vector<1x16xf32> to vector<16xf32>
          %add3A_572 = arith.addf %get3A_567, %get3A_571 : vector<16xf32>
          %max3A_573 = arith.constant 0.000000e+00 : f32
          %max3A_574 = vector.broadcast %max3A_573 : f32 to vector<16xf32>
          %max3A_575 = arith.maximumf %add3A_572, %max3A_574 : vector<16xf32>
          %swap3A_576 = arith.index_cast %add3A_546 : i32 to index
          %swap3A_577 = arith.constant 16 : index
          %swap3A_578 = tpu.vector_load %arg10[%swap3A_576, %swap3A_577] {strides = array<i32>} : memref<48x128xf32, #tpu.memory_space<vmem>>, vector<1x16xf32>,
          %swap3A_579 = vector.shape_cast %swap3A_578 : vector<1x16xf32> to vector<16xf32>
          %swap3A_580 = vector.shape_cast %max3A_575 : vector<16xf32> to vector<1x16xf32>
          tpu.vector_store %arg10[%swap3A_576, %swap3A_577], %swap3A_580 {strides = array<i32>} : memref<48x128xf32, #tpu.memory_space<vmem>>, vector<1x16xf32>,
          %get3A_581 = arith.index_cast %add3A_546 : i32 to index
          %get3A_582 = arith.constant 32 : index
          %get3A_583 = tpu.vector_load %arg10[%get3A_581, %get3A_582] {strides = array<i32>} : memref<48x128xf32, #tpu.memory_space<vmem>>, vector<1x16xf32>,
          %get3A_584 = vector.shape_cast %get3A_583 : vector<1x16xf32> to vector<16xf32>
          %get3A_585 = arith.index_cast %add3A_546 : i32 to index
          %get3A_586 = arith.constant 32 : index
          %get3A_587 = tpu.vector_load %arg12[%get3A_585, %get3A_586] {strides = array<i32>} : memref<48x128xf32, #tpu.memory_space<vmem>>, vector<1x16xf32>,
          %get3A_588 = vector.shape_cast %get3A_587 : vector<1x16xf32> to vector<16xf32>
          %add3A_589 = arith.addf %get3A_584, %get3A_588 : vector<16xf32>
          %max3A_590 = arith.constant 0.000000e+00 : f32
          %max3A_591 = vector.broadcast %max3A_590 : f32 to vector<16xf32>
          %max3A_592 = arith.maximumf %add3A_589, %max3A_591 : vector<16xf32>
          %swap3A_593 = arith.index_cast %add3A_546 : i32 to index
          %swap3A_594 = arith.constant 32 : index
          %swap3A_595 = tpu.vector_load %arg10[%swap3A_593, %swap3A_594] {strides = array<i32>} : memref<48x128xf32, #tpu.memory_space<vmem>>, vector<1x16xf32>,
          %swap3A_596 = vector.shape_cast %swap3A_595 : vector<1x16xf32> to vector<16xf32>
          %swap3A_597 = vector.shape_cast %max3A_592 : vector<16xf32> to vector<1x16xf32>
          tpu.vector_store %arg10[%swap3A_593, %swap3A_594], %swap3A_597 {strides = array<i32>} : memref<48x128xf32, #tpu.memory_space<vmem>>, vector<1x16xf32>,
          %get3A_598 = arith.index_cast %add3A_546 : i32 to index
          %get3A_599 = arith.constant 48 : index
          %get3A_600 = tpu.vector_load %arg10[%get3A_598, %get3A_599] {strides = array<i32>} : memref<48x128xf32, #tpu.memory_space<vmem>>, vector<1x16xf32>,
          %get3A_601 = vector.shape_cast %get3A_600 : vector<1x16xf32> to vector<16xf32>
          %get3A_602 = arith.index_cast %add3A_546 : i32 to index
          %get3A_603 = arith.constant 48 : index
          %get3A_604 = tpu.vector_load %arg12[%get3A_602, %get3A_603] {strides = array<i32>} : memref<48x128xf32, #tpu.memory_space<vmem>>, vector<1x16xf32>,
          %get3A_605 = vector.shape_cast %get3A_604 : vector<1x16xf32> to vector<16xf32>
          %add3A_606 = arith.addf %get3A_601, %get3A_605 : vector<16xf32>
          %max3A_607 = arith.constant 0.000000e+00 : f32
          %max3A_608 = vector.broadcast %max3A_607 : f32 to vector<16xf32>
          %max3A_609 = arith.maximumf %add3A_606, %max3A_608 : vector<16xf32>
          %swap3A_610 = arith.index_cast %add3A_546 : i32 to index
          %swap3A_611 = arith.constant 48 : index
          %swap3A_612 = tpu.vector_load %arg10[%swap3A_610, %swap3A_611] {strides = array<i32>} : memref<48x128xf32, #tpu.memory_space<vmem>>, vector<1x16xf32>,
          %swap3A_613 = vector.shape_cast %swap3A_612 : vector<1x16xf32> to vector<16xf32>
          %swap3A_614 = vector.shape_cast %max3A_609 : vector<16xf32> to vector<1x16xf32>
          tpu.vector_store %arg10[%swap3A_610, %swap3A_611], %swap3A_614 {strides = array<i32>} : memref<48x128xf32, #tpu.memory_space<vmem>>, vector<1x16xf32>,
          %get3A_615 = arith.index_cast %add3A_546 : i32 to index
          %get3A_616 = arith.constant 64 : index
          %get3A_617 = tpu.vector_load %arg10[%get3A_615, %get3A_616] {strides = array<i32>} : memref<48x128xf32, #tpu.memory_space<vmem>>, vector<1x16xf32>,
          %get3A_618 = vector.shape_cast %get3A_617 : vector<1x16xf32> to vector<16xf32>
          %get3A_619 = arith.index_cast %add3A_546 : i32 to index
          %get3A_620 = arith.constant 64 : index
          %get3A_621 = tpu.vector_load %arg12[%get3A_619, %get3A_620] {strides = array<i32>} : memref<48x128xf32, #tpu.memory_space<vmem>>, vector<1x16xf32>,
          %get3A_622 = vector.shape_cast %get3A_621 : vector<1x16xf32> to vector<16xf32>
          %add3A_623 = arith.addf %get3A_618, %get3A_622 : vector<16xf32>
          %max3A_624 = arith.constant 0.000000e+00 : f32
          %max3A_625 = vector.broadcast %max3A_624 : f32 to vector<16xf32>
          %max3A_626 = arith.maximumf %add3A_623, %max3A_625 : vector<16xf32>
          %swap3A_627 = arith.index_cast %add3A_546 : i32 to index
          %swap3A_628 = arith.constant 64 : index
          %swap3A_629 = tpu.vector_load %arg10[%swap3A_627, %swap3A_628] {strides = array<i32>} : memref<48x128xf32, #tpu.memory_space<vmem>>, vector<1x16xf32>,
          %swap3A_630 = vector.shape_cast %swap3A_629 : vector<1x16xf32> to vector<16xf32>
          %swap3A_631 = vector.shape_cast %max3A_626 : vector<16xf32> to vector<1x16xf32>
          tpu.vector_store %arg10[%swap3A_627, %swap3A_628], %swap3A_631 {strides = array<i32>} : memref<48x128xf32, #tpu.memory_space<vmem>>, vector<1x16xf32>,
          %get3A_632 = arith.index_cast %add3A_546 : i32 to index
          %get3A_633 = arith.constant 80 : index
          %get3A_634 = tpu.vector_load %arg10[%get3A_632, %get3A_633] {strides = array<i32>} : memref<48x128xf32, #tpu.memory_space<vmem>>, vector<1x16xf32>,
          %get3A_635 = vector.shape_cast %get3A_634 : vector<1x16xf32> to vector<16xf32>
          %get3A_636 = arith.index_cast %add3A_546 : i32 to index
          %get3A_637 = arith.constant 80 : index
          %get3A_638 = tpu.vector_load %arg12[%get3A_636, %get3A_637] {strides = array<i32>} : memref<48x128xf32, #tpu.memory_space<vmem>>, vector<1x16xf32>,
          %get3A_639 = vector.shape_cast %get3A_638 : vector<1x16xf32> to vector<16xf32>
          %add3A_640 = arith.addf %get3A_635, %get3A_639 : vector<16xf32>
          %max3A_641 = arith.constant 0.000000e+00 : f32
          %max3A_642 = vector.broadcast %max3A_641 : f32 to vector<16xf32>
          %max3A_643 = arith.maximumf %add3A_640, %max3A_642 : vector<16xf32>
          %swap3A_644 = arith.index_cast %add3A_546 : i32 to index
          %swap3A_645 = arith.constant 80 : index
          %swap3A_646 = tpu.vector_load %arg10[%swap3A_644, %swap3A_645] {strides = array<i32>} : memref<48x128xf32, #tpu.memory_space<vmem>>, vector<1x16xf32>,
          %swap3A_647 = vector.shape_cast %swap3A_646 : vector<1x16xf32> to vector<16xf32>
          %swap3A_648 = vector.shape_cast %max3A_643 : vector<16xf32> to vector<1x16xf32>
          tpu.vector_store %arg10[%swap3A_644, %swap3A_645], %swap3A_648 {strides = array<i32>} : memref<48x128xf32, #tpu.memory_space<vmem>>, vector<1x16xf32>,
          %get3A_649 = arith.index_cast %add3A_546 : i32 to index
          %get3A_650 = arith.constant 96 : index
          %get3A_651 = tpu.vector_load %arg10[%get3A_649, %get3A_650] {strides = array<i32>} : memref<48x128xf32, #tpu.memory_space<vmem>>, vector<1x16xf32>,
          %get3A_652 = vector.shape_cast %get3A_651 : vector<1x16xf32> to vector<16xf32>
          %get3A_653 = arith.index_cast %add3A_546 : i32 to index
          %get3A_654 = arith.constant 96 : index
          %get3A_655 = tpu.vector_load %arg12[%get3A_653, %get3A_654] {strides = array<i32>} : memref<48x128xf32, #tpu.memory_space<vmem>>, vector<1x16xf32>,
          %get3A_656 = vector.shape_cast %get3A_655 : vector<1x16xf32> to vector<16xf32>
          %add3A_657 = arith.addf %get3A_652, %get3A_656 : vector<16xf32>
          %max3A_658 = arith.constant 0.000000e+00 : f32
          %max3A_659 = vector.broadcast %max3A_658 : f32 to vector<16xf32>
          %max3A_660 = arith.maximumf %add3A_657, %max3A_659 : vector<16xf32>
          %swap3A_661 = arith.index_cast %add3A_546 : i32 to index
          %swap3A_662 = arith.constant 96 : index
          %swap3A_663 = tpu.vector_load %arg10[%swap3A_661, %swap3A_662] {strides = array<i32>} : memref<48x128xf32, #tpu.memory_space<vmem>>, vector<1x16xf32>,
          %swap3A_664 = vector.shape_cast %swap3A_663 : vector<1x16xf32> to vector<16xf32>
          %swap3A_665 = vector.shape_cast %max3A_660 : vector<16xf32> to vector<1x16xf32>
          tpu.vector_store %arg10[%swap3A_661, %swap3A_662], %swap3A_665 {strides = array<i32>} : memref<48x128xf32, #tpu.memory_space<vmem>>, vector<1x16xf32>,
          %get3A_666 = arith.index_cast %add3A_546 : i32 to index
          %get3A_667 = arith.constant 112 : index
          %get3A_668 = tpu.vector_load %arg10[%get3A_666, %get3A_667] {strides = array<i32>} : memref<48x128xf32, #tpu.memory_space<vmem>>, vector<1x16xf32>,
          %get3A_669 = vector.shape_cast %get3A_668 : vector<1x16xf32> to vector<16xf32>
          %get3A_670 = arith.index_cast %add3A_546 : i32 to index
          %get3A_671 = arith.constant 112 : index
          %get3A_672 = tpu.vector_load %arg12[%get3A_670, %get3A_671] {strides = array<i32>} : memref<48x128xf32, #tpu.memory_space<vmem>>, vector<1x16xf32>,
          %get3A_673 = vector.shape_cast %get3A_672 : vector<1x16xf32> to vector<16xf32>
          %add3A_674 = arith.addf %get3A_669, %get3A_673 : vector<16xf32>
          %max3A_675 = arith.constant 0.000000e+00 : f32
          %max3A_676 = vector.broadcast %max3A_675 : f32 to vector<16xf32>
          %max3A_677 = arith.maximumf %add3A_674, %max3A_676 : vector<16xf32>
          %swap3A_678 = arith.index_cast %add3A_546 : i32 to index
          %swap3A_679 = arith.constant 112 : index
          %swap3A_680 = tpu.vector_load %arg10[%swap3A_678, %swap3A_679] {strides = array<i32>} : memref<48x128xf32, #tpu.memory_space<vmem>>, vector<1x16xf32>,
          %swap3A_681 = vector.shape_cast %swap3A_680 : vector<1x16xf32> to vector<16xf32>
          %swap3A_682 = vector.shape_cast %max3A_677 : vector<16xf32> to vector<1x16xf32>
          tpu.vector_store %arg10[%swap3A_678, %swap3A_679], %swap3A_682 {strides = array<i32>} : memref<48x128xf32, #tpu.memory_space<vmem>>, vector<1x16xf32>,
          %scan3A_683 = arith.constant 0 : i32
          scf.yield %scan3A_683 : i32
        }
        %scan3A_121 = arith.constant 12 : i32
        "tpu.region"() ({
          %run_scoped3A = tpu.sem_alloc : memref<!tpu.dma_semaphore, #tpu.memory_space<semaphore_mem>>
          %dma_start3A_122 = arith.constant 0 : i32
          %dma_start3A_123 = arith.constant 0 : i32
          %dma_start3A_124 = tpu.memref_slice %arg15[%dma_start3A_122, %dma_start3A_123] : memref<10240x128xf32, #tpu.memory_space<vmem_shared>> -> memref<10240x128xf32, #tpu.memory_space<vmem_shared>>
          tpu.enqueue_indirect_dma source(%arg10 : memref<48x128xf32, #tpu.memory_space<vmem>>) target(%dma_start3A_124 : memref<10240x128xf32, #tpu.memory_space<vmem_shared>>) offsets(%arg14 : memref<48xi32, #tpu.memory_space<vmem>>) semaphore(%run_scoped3A : memref<!tpu.dma_semaphore, #tpu.memory_space<semaphore_mem>>) {add = true}
          %dma_wait3A_125 = arith.constant 0 : i32
          %dma_wait3A_126 = arith.constant 0 : i32
          %dma_wait3A_127 = tpu.memref_slice %arg15[%dma_wait3A_125, %dma_wait3A_126] : memref<10240x128xf32, #tpu.memory_space<vmem_shared>> -> memref<10240x128xf32, #tpu.memory_space<vmem_shared>>
          tpu.wait_indirect_dma semaphore(%run_scoped3A : memref<!tpu.dma_semaphore, #tpu.memory_space<semaphore_mem>>) src(%arg10 : memref<48x128xf32, #tpu.memory_space<vmem>>) dst(%dma_wait3A_127 : memref<10240x128xf32, #tpu.memory_space<vmem_shared>>)
          tpu.yield
        }) : () -> ()
      } else {
      }
      %scan3A_102 = arith.constant 0 : i32
      scf.yield %scan3A_102 : i32
    }
    %scan3A_55 = arith.constant 105 : i32
    %barrier3A_56 = arith.constant 0 : index
    tpu.barrier barrier_id(%barrier3A_56)
    %scan3A_57 = arith.constant 0 : i32
    %scan3A_58 = arith.constant 0 : i32
    %scan3A_59 = arith.constant 16 : i32
    %scan3A_60 = arith.addi %scan3A_58, %scan3A_59 : i32
    %scan3A_61 = arith.constant 1 : i32
    %scan3A_62 = scf.for %scan3A_64 = %scan3A_58 to %scan3A_60 step %scan3A_61 iter_args(%scan3A_65 = %scan3A_57) -> (i32)  : i32 {
      %mul3A_66 = arith.constant 640 : i32
      %mul3A_67 = arith.muli %arg1, %mul3A_66 : i32
      %mul3A_68 = arith.constant 40 : i32
      %mul3A_69 = arith.muli %scan3A_64, %mul3A_68 : i32
      %add3A_70 = arith.addi %mul3A_67, %mul3A_69 : i32
      "tpu.region"() ({
        %run_scoped3A = tpu.sem_alloc : memref<!tpu.dma_semaphore, #tpu.memory_space<semaphore_mem>>
        %dma_start3A_72 = arith.constant 0 : i32
        %dma_start3A_73 = tpu.memref_slice %arg6[%arg0, %add3A_70, %dma_start3A_72] : memref<2x10240x128xf32, #tpu.memory_space<hbm>> -> memref<1x40x128xf32, #tpu.memory_space<hbm>>
        %dma_start3A_74 = tpu.memref_squeeze %dma_start3A_73 : memref<1x40x128xf32, #tpu.memory_space<hbm>> -> memref<40x128xf32, #tpu.memory_space<hbm>>
        %dma_start3A_75 = arith.constant 0 : i32
        %dma_start3A_76 = tpu.memref_slice %arg15[%add3A_70, %dma_start3A_75] : memref<10240x128xf32, #tpu.memory_space<vmem_shared>> -> memref<40x128xf32, #tpu.memory_space<vmem_shared>>
        tpu.enqueue_dma source(%dma_start3A_76 : memref<40x128xf32, #tpu.memory_space<vmem_shared>>) target(%dma_start3A_74 : memref<40x128xf32, #tpu.memory_space<hbm>>) target_semaphore(%run_scoped3A : memref<!tpu.dma_semaphore, #tpu.memory_space<semaphore_mem>>)
        %dma_wait3A = arith.constant 0 : i32
        %dma_wait3A_77 = tpu.memref_slice %arg6[%arg0, %add3A_70, %dma_wait3A] : memref<2x10240x128xf32, #tpu.memory_space<hbm>> -> memref<1x40x128xf32, #tpu.memory_space<hbm>>
        %dma_wait3A_78 = tpu.memref_squeeze %dma_wait3A_77 : memref<1x40x128xf32, #tpu.memory_space<hbm>> -> memref<40x128xf32, #tpu.memory_space<hbm>>
        %dma_wait3A_79 = arith.constant 0 : i32
        %dma_wait3A_80 = tpu.memref_slice %arg15[%add3A_70, %dma_wait3A_79] : memref<10240x128xf32, #tpu.memory_space<vmem_shared>> -> memref<40x128xf32, #tpu.memory_space<vmem_shared>>
        tpu.wait_dma2 semaphore(%run_scoped3A : memref<!tpu.dma_semaphore, #tpu.memory_space<semaphore_mem>>) src(%dma_wait3A_80 : memref<40x128xf32, #tpu.memory_space<vmem_shared>>) dst(%dma_wait3A_78 : memref<40x128xf32, #tpu.memory_space<hbm>>)
        tpu.yield
      }) : () -> ()
      %scan3A_71 = arith.constant 0 : i32
      scf.yield %scan3A_71 : i32
    }
    %scan3A_63 = arith.constant 16 : i32
    return
  }
}

module attributes {stable_mosaic.version = 14 : i64} {
  func.func @_q_body(%arg0: i32, %arg1: memref<6688x16xf32, #tpu.memory_space<vmem>>, %arg2: memref<16x128xf32, #tpu.memory_space<vmem>>, %arg3: memref<6688x128xf32, #tpu.memory_space<vmem>>) attributes {dimension_semantics = [#tpu.dimension_semantics<arbitrary>], iteration_bounds = array<i64: 48>, scalar_prefetch = 0 : i64, scratch_operands = 0 : i64, tpu.core_type = #tpu.core_type<tc>, window_params = [{transform_indices = @transform_0, window_bounds = array<i64: 6688, 16>}, {pipeline_mode = #tpu.pipeline_mode<synchronous>, transform_indices = @transform_1, window_bounds = array<i64: 16, 128>}, {transform_indices = @transform_2, window_bounds = array<i64: 6688, 128>}]} {
    %get3A = arith.constant 0 : index
    %get3A_0 = arith.constant 0 : index
    %get3A_1 = vector.load %arg1[%get3A, %get3A_0] : memref<6688x16xf32, #tpu.memory_space<vmem>>, vector<6688x16xf32>
    %get3A_2 = arith.constant 0 : index
    %get3A_3 = arith.constant 0 : index
    %get3A_4 = vector.load %arg2[%get3A_2, %get3A_3] : memref<16x128xf32, #tpu.memory_space<vmem>>, vector<16x128xf32>
    %dot_general3A = arith.constant dense<0.000000e+00> : vector<6688x128xf32>
    %dot_general3A_5 = tpu.matmul %get3A_1, %get3A_4, %dot_general3A {dimension_numbers = #tpu.dot_dimension_numbers<[1], [0], [0], [1], [0, 0, 1, 1], [], []>, transpose_lhs_hint = false} : vector<6688x16xf32>, vector<16x128xf32>, vector<6688x128xf32> -> vector<6688x128xf32>
    %swap3A = arith.constant 0 : index
    %swap3A_6 = arith.constant 0 : index
    %swap3A_7 = vector.load %arg3[%swap3A, %swap3A_6] : memref<6688x128xf32, #tpu.memory_space<vmem>>, vector<6688x128xf32>
    tpu.vector_store %arg3[%swap3A, %swap3A_6], %dot_general3A_5 {strides = array<i32>} : memref<6688x128xf32, #tpu.memory_space<vmem>>, vector<6688x128xf32>,
    return
  }
  func.func @transform_0(%arg0: i32) -> (i32, i32) {
    %c0_i32 = arith.constant 0 : i32
    %c0_i32_0 = arith.constant 0 : i32
    return %arg0, %c0_i32 : i32, i32
  }
  func.func @transform_1(%arg0: i32) -> (i32, i32) {
    %c0_i32 = arith.constant 0 : i32
    %c0_i32_0 = arith.constant 0 : i32
    %c0_i32_1 = arith.constant 0 : i32
    return %c0_i32, %c0_i32_0 : i32, i32
  }
  func.func @transform_2(%arg0: i32) -> (i32, i32) {
    %c0_i32 = arith.constant 0 : i32
    %c0_i32_0 = arith.constant 0 : i32
    return %arg0, %c0_i32 : i32, i32
  }
}

module attributes {stable_mosaic.version = 14 : i64} {
  func.func @_p_body(%arg0: memref<10000x128xf32, #tpu.memory_space<vmem>>, %arg1: memref<128x128xf32, #tpu.memory_space<vmem>>, %arg2: memref<128xf32, #tpu.memory_space<vmem>>, %arg3: memref<10000x128xf32, #tpu.memory_space<vmem>>) attributes {dimension_semantics = [], scalar_prefetch = 0 : i64, scratch_operands = 0 : i64, tpu.core_type = #tpu.core_type<tc>} {
    %get3A = arith.constant 0 : index
    %get3A_0 = arith.constant 0 : index
    %get3A_1 = vector.load %arg0[%get3A, %get3A_0] : memref<10000x128xf32, #tpu.memory_space<vmem>>, vector<10000x128xf32>
    %get3A_2 = arith.constant 0 : index
    %get3A_3 = arith.constant 0 : index
    %get3A_4 = vector.load %arg1[%get3A_2, %get3A_3] : memref<128x128xf32, #tpu.memory_space<vmem>>, vector<128x128xf32>
    %dot_general3A = arith.constant dense<0.000000e+00> : vector<10000x128xf32>
    %dot_general3A_5 = tpu.matmul %get3A_1, %get3A_4, %dot_general3A {dimension_numbers = #tpu.dot_dimension_numbers<[1], [0], [0], [1], [0, 0, 1, 1], [], []>, transpose_lhs_hint = false} : vector<10000x128xf32>, vector<128x128xf32>, vector<10000x128xf32> -> vector<10000x128xf32>
    %get3A_6 = arith.constant 0 : index
    %get3A_7 = vector.load %arg2[%get3A_6] : memref<128xf32, #tpu.memory_space<vmem>>, vector<128xf32>
    %broadcast_in_dim3A = vector.shape_cast %get3A_7 : vector<128xf32> to vector<1x128xf32>
    %add3A = vector.broadcast %broadcast_in_dim3A : vector<1x128xf32> to vector<10000x128xf32>
    %add3A_8 = arith.addf %dot_general3A_5, %add3A : vector<10000x128xf32>
    %swap3A = arith.constant 0 : index
    %swap3A_9 = arith.constant 0 : index
    %swap3A_10 = vector.load %arg3[%swap3A, %swap3A_9] : memref<10000x128xf32, #tpu.memory_space<vmem>>, vector<10000x128xf32>
    tpu.vector_store %arg3[%swap3A, %swap3A_9], %add3A_8 {strides = array<i32>} : memref<10000x128xf32, #tpu.memory_space<vmem>>, vector<10000x128xf32>,
    return
  }
}

module attributes {stable_mosaic.version = 14 : i64} {
  func.func @_update_body(%arg0: memref<2x10240x128xf32, #tpu.memory_space<vmem>>, %arg1: memref<10000x128xf32, #tpu.memory_space<vmem>>, %arg2: memref<128x128xf32, #tpu.memory_space<vmem>>, %arg3: memref<128xf32, #tpu.memory_space<vmem>>, %arg4: memref<128x128xf32, #tpu.memory_space<vmem>>, %arg5: memref<128x128xf32, #tpu.memory_space<vmem>>, %arg6: memref<128xf32, #tpu.memory_space<vmem>>, %arg7: memref<128x128xf32, #tpu.memory_space<vmem>>, %arg8: memref<128xf32, #tpu.memory_space<vmem>>, %arg9: memref<10000x128xf32, #tpu.memory_space<vmem>>) attributes {dimension_semantics = [], scalar_prefetch = 0 : i64, scratch_operands = 0 : i64, tpu.core_type = #tpu.core_type<tc>} {
    %get3A = arith.constant 0 : index
    %get3A_0 = arith.constant 0 : index
    %get3A_1 = arith.constant 0 : index
    %get3A_2 = vector.load %arg0[%get3A, %get3A_0, %get3A_1] : memref<2x10240x128xf32, #tpu.memory_space<vmem>>, vector<1x10000x128xf32>
    %get3A_3 = vector.shape_cast %get3A_2 : vector<1x10000x128xf32> to vector<10000x128xf32>
    %get3A_4 = arith.constant 1 : index
    %get3A_5 = arith.constant 0 : index
    %get3A_6 = arith.constant 0 : index
    %get3A_7 = vector.load %arg0[%get3A_4, %get3A_5, %get3A_6] : memref<2x10240x128xf32, #tpu.memory_space<vmem>>, vector<1x10000x128xf32>
    %get3A_8 = vector.shape_cast %get3A_7 : vector<1x10000x128xf32> to vector<10000x128xf32>
    %add3A = arith.addf %get3A_3, %get3A_8 : vector<10000x128xf32>
    %get3A_9 = arith.constant 0 : index
    %get3A_10 = arith.constant 0 : index
    %get3A_11 = vector.load %arg2[%get3A_9, %get3A_10] : memref<128x128xf32, #tpu.memory_space<vmem>>, vector<128x128xf32>
    %dot_general3A = arith.constant dense<0.000000e+00> : vector<10000x128xf32>
    %dot_general3A_12 = tpu.matmul %add3A, %get3A_11, %dot_general3A {dimension_numbers = #tpu.dot_dimension_numbers<[1], [0], [0], [1], [0, 0, 1, 1], [], []>, transpose_lhs_hint = false} : vector<10000x128xf32>, vector<128x128xf32>, vector<10000x128xf32> -> vector<10000x128xf32>
    %get3A_13 = arith.constant 0 : index
    %get3A_14 = arith.constant 0 : index
    %get3A_15 = vector.load %arg1[%get3A_13, %get3A_14] : memref<10000x128xf32, #tpu.memory_space<vmem>>, vector<10000x128xf32>
    %get3A_16 = arith.constant 0 : index
    %get3A_17 = arith.constant 0 : index
    %get3A_18 = vector.load %arg4[%get3A_16, %get3A_17] : memref<128x128xf32, #tpu.memory_space<vmem>>, vector<128x128xf32>
    %dot_general3A_19 = arith.constant dense<0.000000e+00> : vector<10000x128xf32>
    %dot_general3A_20 = tpu.matmul %get3A_15, %get3A_18, %dot_general3A_19 {dimension_numbers = #tpu.dot_dimension_numbers<[1], [0], [0], [1], [0, 0, 1, 1], [], []>, transpose_lhs_hint = false} : vector<10000x128xf32>, vector<128x128xf32>, vector<10000x128xf32> -> vector<10000x128xf32>
    %get3A_21 = arith.constant 0 : index
    %get3A_22 = arith.constant 0 : index
    %get3A_23 = vector.load %arg5[%get3A_21, %get3A_22] : memref<128x128xf32, #tpu.memory_space<vmem>>, vector<128x128xf32>
    %dot_general3A_24 = arith.constant dense<0.000000e+00> : vector<10000x128xf32>
    %dot_general3A_25 = tpu.matmul %dot_general3A_12, %get3A_23, %dot_general3A_24 {dimension_numbers = #tpu.dot_dimension_numbers<[1], [0], [0], [1], [0, 0, 1, 1], [], []>, transpose_lhs_hint = false} : vector<10000x128xf32>, vector<128x128xf32>, vector<10000x128xf32> -> vector<10000x128xf32>
    %add3A_26 = arith.addf %dot_general3A_20, %dot_general3A_25 : vector<10000x128xf32>
    %get3A_27 = arith.constant 0 : index
    %get3A_28 = vector.load %arg6[%get3A_27] : memref<128xf32, #tpu.memory_space<vmem>>, vector<128xf32>
    %broadcast_in_dim3A = vector.shape_cast %get3A_28 : vector<128xf32> to vector<1x128xf32>
    %add3A_29 = vector.broadcast %broadcast_in_dim3A : vector<1x128xf32> to vector<10000x128xf32>
    %add3A_30 = arith.addf %add3A_26, %add3A_29 : vector<10000x128xf32>
    %max3A = arith.constant 0.000000e+00 : f32
    %max3A_31 = vector.broadcast %max3A : f32 to vector<10000x128xf32>
    %max3A_32 = arith.maximumf %add3A_30, %max3A_31 : vector<10000x128xf32>
    %get3A_33 = arith.constant 0 : index
    %get3A_34 = arith.constant 0 : index
    %get3A_35 = vector.load %arg7[%get3A_33, %get3A_34] : memref<128x128xf32, #tpu.memory_space<vmem>>, vector<128x128xf32>
    %dot_general3A_36 = arith.constant dense<0.000000e+00> : vector<10000x128xf32>
    %dot_general3A_37 = tpu.matmul %max3A_32, %get3A_35, %dot_general3A_36 {dimension_numbers = #tpu.dot_dimension_numbers<[1], [0], [0], [1], [0, 0, 1, 1], [], []>, transpose_lhs_hint = false} : vector<10000x128xf32>, vector<128x128xf32>, vector<10000x128xf32> -> vector<10000x128xf32>
    %get3A_38 = arith.constant 0 : index
    %get3A_39 = vector.load %arg8[%get3A_38] : memref<128xf32, #tpu.memory_space<vmem>>, vector<128xf32>
    %broadcast_in_dim3A_40 = vector.shape_cast %get3A_39 : vector<128xf32> to vector<1x128xf32>
    %add3A_41 = vector.broadcast %broadcast_in_dim3A_40 : vector<1x128xf32> to vector<10000x128xf32>
    %add3A_42 = arith.addf %dot_general3A_37, %add3A_41 : vector<10000x128xf32>
    %swap3A = arith.constant 0 : index
    %swap3A_43 = arith.constant 0 : index
    %swap3A_44 = vector.load %arg9[%swap3A, %swap3A_43] : memref<10000x128xf32, #tpu.memory_space<vmem>>, vector<10000x128xf32>
    tpu.vector_store %arg9[%swap3A, %swap3A_43], %add3A_42 {strides = array<i32>} : memref<10000x128xf32, #tpu.memory_space<vmem>>, vector<10000x128xf32>,
    return
  }
}

</mosaic_0001>

<sc_bundles>
// kernel: kernel.6.cloned.1.call-start
scs
__scs_entry_jumppad:
0x0: {  	(pc) =	sbr.rel $0x88, $3  }
0x1: {  	(tag) =	ssettag $0x0;
	lr =	simm.s32 $0x1  }
0x2: {  	[smem:$0x3F96] =	sst lr;
	_ =	strace $0xD0000000  }
0x3: {  	_ = 	snop  }
0x4: {  	_ = 	snop  }
0x5: {  	_ = 	snop  }
0x6: {  	_ = 	snop  }
0x7: {  	_ = 	snop  }
__scs_overlays_trampoline_lowered:
0x8: {  	[smem:$0x3FA5] =	sst s0  }
0x9: {  	[smem:$0x3FA6] =	sst s1  }
0xa: {  	[smem:$0x3FA7] =	sst s2  }
0xb: {  	[smem:$0x3FA8] =	sst s3  }
0xc: {  	[smem:$0x3FA9] =	sst s4  }
0xd: {  	[smem:$0x3FAA] =	sst s5  }
0xe: {  	[smem:$0x3FAB] =	sst s6  }
0xf: {  	[smem:$0x3FAC] =	sst s7  }
0x10: {  	[smem:$0x3FAD] =	sst s8  }
0x11: {  	[smem:$0x3FAE] =	sst s9;
	s0 =	simm.s32 @!p0 $0x0  }
0x12: {  	s1 =	sld [smem:$0x3F94];
	s0 =	simm.s32 @p0 $0x1  }
0x13: {  	[smem:$0x3FAF] =	sst s0;
	s0 =	simm.s32 @!p1 $0x0  }
0x14: {  	s2 =	sld [smem:$0x3F93];
	s0 =	simm.s32 @p1 $0x1  }
0x15: {  	[smem:$0x3FB0] =	sst s0;
	s0 =	simm.s32 @!p2 $0x0  }
0x16: {  	s3 =	sld [smem:$0x3FDB];
	s0 =	simm.s32 @p2 $0x1  }
0x17: {  	s4 =	simm.s32 $0x1BF5;
	[smem:$0x3FB2] =	sst s0  }
0x18: {  	s0 =	sld [smem:$0x3F95];
	_ =	swait.ge [sflag:s4], $0x0  }
0x19: {  	s7 =	sld [smem:$0x3F96]  }
0x1a: {  	s8 =	sadd.s32 $0xFFFFE003, lr  }
0x1b: {  	s9 =	sadd.s32 $0xFFFFFEF7, lr;
	s5 =	simm.s32 $0xFFFFFFFF;
	p2 =	slt.u32 s8, $0xFFFFF086  }
0x1c: {  	p1 =	slt.u32 s9, $0xF7A;
	s5 =	simm.s32 @!p2 $0x0  }
0x1d: {  	s5 =	simm.s32 @p1 $0x1;
	p0 =	seq.s32 s7, s2  }
0x1e: {  	s7 =	smul.u32 @!p0 $0xF7A, s2;
	p2 =	seq.s32 @!p0 s5, $0x0  }
0x1f: {  	s9 =	smul.u32 $0xF7A, s1;
	s8 =	simm.s32 @!p0 $0x1BF5;
	p2 =	por !p2, p0  }
0x20: {  	[sflag:s8] =	ssyncset.s32 @!p0 $0xFFFFF086;
	s6 =	sadd.s32 @!p0 s3, s7;
	s7 =	simm.s32 @!p0 $0x108  }
0x21: {  	s3 =	sadd.s32 s3, s9;
	s6 =	sadd.s32 @!p0 $0x88, s6;
	s7 =	simm.s32 @p2 $0x1082  }
0x22: {  	[simem:s7], [sflag:s8] =	dma.local @!p0 [hbm:s6], $0xF7A  }
0x23: {  	s9 =	sor.u32 $0xD0000000, s2;
	s6 =	simm.s32 $0x108;
	_ =	swait.ge @!p0 [sflag:s8], $0x0  }
0x24: {  	s3 =	sadd.s32 $0x88, s3;
	s6 =	simm.s32 @!p1 $0x1082;
	[sflag:s4] =	ssyncset.s32 $0xFFFFF086  }
0x25: {  	[simem:s6], [sflag:s4] =	dma.local [hbm:s3], $0xF7A  }
0x26: {  	[smem:$0x3F96] =	sst s1;
	(tag) =	ssettag s2;
	_ =	strace s9  }
0x27: {  	s1 =	sld [smem:$0x3FA6]  }
0x28: {  	s2 =	sld [smem:$0x3FA7]  }
0x29: {  	s4 =	sld [smem:$0x3FA9]  }
0x2a: {  	p0 =	seq.s32 s5, $0x0;
	s5 =	sld [smem:$0x3FAA]  }
0x2b: {  	s6 =	sld [smem:$0x3FAB]  }
0x2c: {  	s7 =	sld [smem:$0x3FAC]  }
0x2d: {  	s3 =	simm.s32 $0x108;
	s8 =	sld [smem:$0x3FAD]  }
0x2e: {  	s3 =	simm.s32 @!p0 $0x1082;
	s9 =	sld [smem:$0x3FAE]  }
0x2f: {  	lr =	sadd.s32 s0, s3;
	s0 =	sld [smem:$0x3FA5]  }
0x30: {  	s3 =	sld [smem:$0x3FA8]  }
0x31: {  	[smem:$0x3FB1] =	sst s10  }
0x32: {  	s10 =	sld [smem:$0x3FAF];
	_ =	sdelay $0x3  }
0x33: {  	p0 =	seq.s32 s10, $0x1;
	s10 =	sld [smem:$0x3FB1];
	_ =	sdelay $0x3  }
0x34: {  	[smem:$0x3FB1] =	sst s10  }
0x35: {  	s10 =	sld [smem:$0x3FB0];
	_ =	sdelay $0x3  }
0x36: {  	p1 =	seq.s32 s10, $0x1;
	s10 =	sld [smem:$0x3FB1];
	_ =	sdelay $0x3  }
0x37: {  	[smem:$0x3FB1] =	sst s10  }
0x38: {  	s10 =	sld [smem:$0x3FB2]  }
0x39: {  	_ = 	snop;
	(pc) =	sbr.ind lr, $3  }
0x3a: {  	_ = 	snop  }
0x3b: {  	_ = 	snop  }
0x3c: {  	p2 =	seq.s32 s10, $0x1;
	s10 =	sld [smem:$0x3FB1]  }
0x3d: {  	_ =	shalt  }
0x3e: {  	_ =	shalt  }
0x3f: {  	_ =	shalt  }
0x40: {  	_ =	shalt  }
0x41: {  	_ =	shalt  }
0x42: {  	_ =	shalt  }
0x43: {  	_ =	shalt  }
0x44: {  	_ =	shalt  }
0x45: {  	_ =	shalt  }
0x46: {  	_ =	shalt  }
0x47: {  	_ =	shalt  }
0x48: {  	_ =	shalt  }
0x49: {  	_ =	shalt  }
0x4a: {  	_ =	shalt  }
0x4b: {  	_ =	shalt  }
0x4c: {  	_ =	shalt  }
0x4d: {  	_ =	shalt  }
0x4e: {  	_ =	shalt  }
0x4f: {  	_ =	shalt  }
0x50: {  	_ =	shalt  }
0x51: {  	_ =	shalt  }
0x52: {  	_ =	shalt  }
0x53: {  	_ =	shalt  }
0x54: {  	_ =	shalt  }
0x55: {  	_ =	shalt  }
0x56: {  	_ =	shalt  }
0x57: {  	_ =	shalt  }
0x58: {  	_ =	shalt  }
0x59: {  	_ =	shalt  }
0x5a: {  	_ =	shalt  }
0x5b: {  	_ =	shalt  }
0x5c: {  	_ =	shalt  }
0x5d: {  	_ =	shalt  }
0x5e: {  	_ =	shalt  }
0x5f: {  	_ =	shalt  }
0x60: {  	_ =	shalt  }
0x61: {  	_ =	shalt  }
0x62: {  	_ =	shalt  }
0x63: {  	_ =	shalt  }
0x64: {  	_ =	shalt  }
0x65: {  	_ =	shalt  }
0x66: {  	_ =	shalt  }
0x67: {  	_ =	shalt  }
0x68: {  	_ =	shalt  }
0x69: {  	_ =	shalt  }
0x6a: {  	_ =	shalt  }
0x6b: {  	_ =	shalt  }
0x6c: {  	_ =	shalt  }
0x6d: {  	_ =	shalt  }
0x6e: {  	_ =	shalt  }
0x6f: {  	_ =	shalt  }
0x70: {  	_ =	shalt  }
0x71: {  	_ =	shalt  }
0x72: {  	_ =	shalt  }
0x73: {  	_ =	shalt  }
0x74: {  	_ =	shalt  }
0x75: {  	_ =	shalt  }
0x76: {  	_ =	shalt  }
0x77: {  	_ =	shalt  }
0x78: {  	_ =	shalt  }
0x79: {  	_ =	shalt  }
0x7a: {  	_ =	shalt  }
0x7b: {  	_ =	shalt  }
0x7c: {  	_ =	shalt  }
0x7d: {  	_ =	shalt  }
0x7e: {  	_ =	shalt  }
0x7f: {  	_ =	shalt  }
0x80: {  	_ =	shalt  }
0x81: {  	_ =	shalt  }
0x82: {  	_ =	shalt  }
0x83: {  	_ =	shalt  }
0x84: {  	_ =	shalt  }
0x85: {  	_ =	shalt  }
0x86: {  	_ =	shalt  }
0x87: {  	_ =	shalt  }
.Lfunc_end0:
.L_simem_size_0:
called_computation_lowered:
.L_overlay_start_0:
0x88: {  	s2 =	sld [smem:$0x3FD9]  }
0x89: {  	s3 =	sld [smem:$0x3FFE];
	_ =	sdelay $0x1  }
0x8a: {  	s1 =	srdreg.scid  }
0x8b: {  	s0 =	sand.u32 $0x1, s1  }
0x8c: {  	s17 =	sshll.u32 s0, $0xA;
	s2 =	sadd.s32 s3, s2  }
0x8d: {  	s2 =	sadd.s32 s2, s17  }
0x8e: {  	[smem:$0x3FBD] =	sst s2  }
0x8f: {  	_ = 	snop  }
0x90: {  	s2 =	sld [smem:$0x3FD0];
	(tm) =	ssettm $0x1  }
0x91: {  	s18 =	sld [smem:$0x3FFB];
	_ =	sdelay $0x3  }
0x92: {  	_ =	strace s18  }
0x93: {  	s3 =	sld [smem:$0x3FFC];
	_ =	sdelay $0x3  }
0x94: {  	_ =	strace s3  }
0x95: {  	s3 =	sld [smem:$0x3FFD];
	_ =	sdelay $0x3  }
0x96: {  	_ =	strace s3  }
0x97: {  	_ =	strace $0x8FFFFFFF  }
0x98: {  	s19 =	sld [smem:$0x3FDB];
	_ =	sdelay $0x1  }
0x99: {  	s4 =	simm.s32 $_scs_section_size  }
0x9a: {  	s5 =	simm.s32 $_size__tile_overlayer_lowered;
	s6 =	simm.s32 $_tile_overlayer_lowered  }
0x9b: {  	s22 =	simm.s32 $0x1BFF;
	s21 =	sshll.u32 s6, $0x1;
	s3 =	sadd.s32 s4, s19  }
0x9c: {  	s7 =	simm.s32 $0x0;
	s20 =	sshll.u32 s5, $0x1;
	s5 =	sadd.s32 s21, s3  }
0x9d: {  	[timem:s7], [sflag:s22] =	dma.local [hbm:s5], s20  }
0x9e: {  	_ =	swait.ge [sflag:s22], s20  }
0x9f: {  	s4 =	ssub.s32 $0x0, s20;
	[sflag:s22] =	ssyncset.done $0x0  }
0xa0: {  	[sflag:s22] =	ssyncadd.s32 s4;
	_ =	sdelay $0x1  }
0xa1: {  	s23 =	simm.s32 $0x1B8B  }
0xa2: {  	_ =	swait.ge [sflag:s23], $0x1  }
0xa3: {  	[sflag:s23] =	ssyncset.done $0x0  }
0xa4: {  	s25 =	simm.s32 $0x1B8E;
	s24 =	sld [smem:$0x3FFE];
	[sflag:s23] =	ssyncadd.s32 $0xFFFFFFFF  }
0xa5: {  	s26 =	simm.s32 $execute0_lowered;
	[smem:$0x3FD2] =	sst s25  }
0xa6: {  	s5 =	sshll.u32 s26, $0x1;
	_ =	strace $0x80000046;
	[dreg:$0x1] =	wrdreg $0xFFFFFFFF  }
0xa7: {  	s28 =	simm.s32 $_size_execute0_lowered;
	s3 =	sadd.s32 s3, s5;
	[dreg:$0x0] =	wrdreg $0x0  }
0xa8: {  	s5 =	sshll.u32 s28, $0x1;
	[dreg:$0x2] =	wrdreg s3  }
0xa9: {  	[dreg:$0x3] =	wrdreg s5  }
0xaa: {  	[dreg:$0x4] =	wrdreg $0xC0  }
0xab: {  	_ =	task [dreg:s7], $0x5FFFF  }
0xac: {  	[dreg:$0x1] =	wrdreg $0xFFFFFFFF  }
0xad: {  	[dreg:$0x0] =	wrdreg $0x60  }
0xae: {  	[dreg:$0x2] =	wrdreg s2  }
0xaf: {  	[dreg:$0x3] =	wrdreg s24  }
0xb0: {  	[dreg:$0x4] =	wrdreg $0xB0000  }
0xb1: {  	[dreg:$0x5] =	wrdreg $0x9  }
0xb2: {  	_ =	task.clear_ibuf [dreg:s7], $0x6FFFF;
	_ =	strace $0x90000046  }
0xb3: {  	s29 =	simm.s32 $0x9;
	_ =	strace $0x80000048  }
0xb4: {  	_ =	swait.ge [sflag:s29], $0x1  }
0xb5: {  	[sflag:s29] =	ssyncadd.s32 $0xFFFFFFFF  }
0xb6: {  	_ =	strace $0x90000048  }
0xb7: {  	_ =	sfence  }
0xb8: {  	s30 =	sld [smem:$0x0];
	_ =	sdelay $0x2  }
0xb9: {  	s31 =	sshll.u32 s1, $0xD;
	s1 =	sshrl.u32 s1, $0x2  }
0xba: {  	s3 =	sand.u32 $0x4000, s31;
	s1 =	sadd.s32 s1, s30  }
0xbb: {  	s0 =	sor.u32 s3, s0;
	s1 =	sshll.u32 s1, $0x11  }
0xbc: {  	s0 =	sor.u32 s1, s0  }
0xbd: {  	s0 =	sadd.s32 $0x8F2B, s0  }
0xbe: {  	[sflag:s0] =	ssyncadd.remote.s32 $0x1  }
0xbf: {  	_ =	sfence.sel $0xFFFF  }
0xc0: {  	[dreg:$0x0] =	wrdreg $0xFFFFFFFF;
	(pc) =	sbr.abs _section_cstart, $3  }
0xc1: {  	[dreg:$0x1] =	wrdreg $0xFFFFFFFF  }
0xc2: {  	_ =	task.clear_ibuf [dreg:s7], $0x2FFFF;
	_ =	strace $0x9FFFFFFF  }
0xc3: {  	(tm) =	ssettm $0x7FFFFFFF  }
tec
execute0_lowered:
.L_overlay_start_1:
0x0: {  	(tag) =	ssettag $0x1  }
0x1: {  	s0 =	srdreg.scid;
	s1 =	rddreg [dreg:$0x0]  }
0x2: {  	s10 =	stileid.u32;
	s5 =	rddreg [dreg:$0x1]  }
0x3: {  	s3 =	rddreg [dreg:$0x2];
	s6 =	simm.s32 $0x0;
	s29 =	simm.s32 $0x5  }
0x4: {  	s31 =	simm.s32 $0x4F00;
	s30 =	simm.s32 $0x1;
	s8 =	smul.u32 $0x14000, s10  }
0x5: {  	s0 =	sand.u32 $0x1, s0;
	s2 =	sshll.u32 s10, $0x1;
	s10 =	smul.u32 $0x50000, s10  }
0x6: {  	s13 =	simm.s32 $0x6700;
	s2 =	sor.u32 s0, s2;
	s7 =	smul.u32 $0x140000, s0  }
0x7: {  	s14 =	simm.s32 $0x0;
	[smem:$0x7FF] =	sst s6;
	s4 =	smul.u32 $0x2730, s2  }
0x8: {  	s6 =	sadd.s32 $0x9DD200, s5;
	s0 =	ssub.s32 $0x2, s0;
	s2 =	smul.u32 $0x27300, s2  }
0x9: {  	_ =	strace $0x80000047;
	s16 =	sshrl.u32 s0, $0x1;
	s19 =	sshrl.u32 s10, $0x2  }
0xa: {  	s10 =	simm.s32 $0xAF80;
	s0 =	ssub.s32 s0, s16;
	s2 =	sadd.s32 s6, s2  }
0xb: {  	s11 =	sadd.s32 s19, s3;
	s0 =	smax.u32 s0, $0x1;
	[dreg:$0x6] =	wrdreg s2  }
0xc: {  	s7 =	sadd.s32 s8, s7;
	s20 =	sadd.s32 $0x2800, s11;
	[dreg:$0x7] =	wrdreg s0  }
0xd: {  	s8 =	simm.s32 $0x2;
	s21 =	sadd.s32 $0x3C00, s11;
	[dreg:$0x8] =	wrdreg s20  }
0xe: {  	s9 =	sshrl.u32 s4, $0x3;
	s22 =	sadd.s32 $0x5000, s11;
	[dreg:$0x9] =	wrdreg s21  }
0xf: {  	s7 =	sshrl.u32 s7, $0x3;
	s23 =	sadd.s32 $0x6400, s11;
	[dreg:$0xa] =	wrdreg s22  }
0x10: {  	s12 =	sadd.s32 $0x1400, s11;
	s24 =	sadd.s32 $0x7800, s11;
	[dreg:$0xb] =	wrdreg s23  }
0x11: {  	s25 =	sadd.s32 $0x8C00, s11;
	s26 =	sadd.s32 $0xA000, s11;
	[dreg:$0xc] =	wrdreg s24  }
0x12: {  	s28 =	sadd.s32 $0x12C00, s11;
	s9 =	sadd.s32 s9, s5;
	[dreg:$0xd] =	wrdreg s25  }
0x13: {  	s5 =	sadd.s32 s7, s5;
	[dreg:$0xe] =	wrdreg s26;
	s20 =	sadd.s32 $0xB400, s11  }
0x14: {  	s21 =	sadd.s32 $0xC800, s11;
	s22 =	sadd.s32 $0xDC00, s11;
	s23 =	sadd.s32 $0xF000, s11  }
0x15: {  	s24 =	sadd.s32 $0x10400, s11;
	s26 =	sadd.s32 $0x11800, s11;
	s2 =	simm.s32 $0x30  }
0x16: {  	s0 =	simm.s32 $0x3;
	s7 =	simm.s32 $0x6;
	s17 =	sadd.s32 $0x4E3600, s9  }
0x17: {  	s18 =	sadd.s32 $0x4ED400, s9;
	s25 =	sadd.s32 $0x1600, s5;
	[dreg:$0x4] =	wrdreg s17  }
0x18: {  	v0 =	vimm.f32 $0.0e+00;
	s5 =	simm.s32 $0xAF00;
	s9 =	simm.s32 $0x4;
	[dreg:$0x5] =	wrdreg s18  }
.LBB2_1:
0x19: {  	s15 =	simm.s32 $0x0;
	s16 =	rddreg [dreg:$0x4]  }
0x1a: {  	[tilespmem:s15], [sflag:$0x5] =	stream.linear.gather [hbm4b:s16+s15], $0x2730, $0x38;
	[tilespmem:$0x1F000] =	vst v63  }
0x1b: {  	_ =	swait.ge [sflag:s29], $0x2730  }
0x1c: {  	[sflag:s29] =	ssyncset.done $0x0  }
0x1d: {  	s17 =	simm.s32 $0x2780;
	s19 =	rddreg [dreg:$0x5];
	[sflag:s29] =	ssyncadd.s32 $0xFFFFD8D0  }
0x1e: {  	[tilespmem:s17], [sflag:$0x5] =	stream.linear.gather [hbm4b:s19+s15], $0x2730, $0x38;
	[tilespmem:$0x1F000] =	vst v63  }
0x1f: {  	_ =	swait.ge [sflag:s29], $0x2730  }
0x20: {  	[sflag:s29] =	ssyncset.done $0x0  }
0x21: {  	s16 =	simm.s32 $0x200;
	s15 =	simm.s32 $0x0;
	[sflag:s29] =	ssyncadd.s32 $0xFFFFD8D0  }
.LBB2_2:
0x22: {  	p0 =	sne.s32 s16, $0x5E00;
	[tilespmem:s15+$0x4F70] =	vst v0  }
0x23: {  	[tilespmem:s15+$0x4F00] =	vst v0  }
0x24: {  	[tilespmem:s15+$0x4F10] =	vst v0  }
.Ltmp0:
0x25: {  	[tilespmem:s15+$0x4F20] =	vst v0;
	(pc) =	sbr.rel @p0 .LBB2_2-.Ltmp0, $4  }
0x26: {  	[tilespmem:s15+$0x4F30] =	vst v0  }
0x27: {  	[tilespmem:s15+$0x4F40] =	vst v0  }
0x28: {  	[tilespmem:s15+$0x4F50] =	vst v0  }
0x29: {  	[tilespmem:s15+$0x4F60] =	vst v0;
	s15 =	sshra.s32 s16, $0x2;
	s16 =	sadd.s32 $0x200, s16  }
0x2a: {  	[tilespmem:s15+$0x4F70] =	vst v0  }
0x2b: {  	[tilespmem:s15+$0x4F00] =	vst v0  }
0x2c: {  	[tilespmem:s15+$0x4F10] =	vst v0  }
0x2d: {  	[tilespmem:s15+$0x4F20] =	vst v0  }
0x2e: {  	[tilespmem:s15+$0x4F30] =	vst v0  }
0x2f: {  	[tilespmem:s15+$0x4F40] =	vst v0  }
0x30: {  	[tilespmem:s15+$0x4F50] =	vst v0  }
0x31: {  	[tilespmem:s15+$0x4F60] =	vst v0  }
0x32: {  	[spmem:s11] =	stream.linear.scatter [tilespmem:s31], [sflag:$0x5], $0x1400, $0x38;
	[tilespmem:$0x1F000] =	vst v63  }
0x33: {  	_ =	swait.ge [sflag:s29], $0x1400  }
0x34: {  	[sflag:s29] =	ssyncset.done $0x0  }
0x35: {  	[sflag:s29] =	ssyncadd.s32 $0xFFFFEC00  }
0x36: {  	[spmem:s12] =	stream.linear.scatter [tilespmem:s31], [sflag:$0x5], $0x1400, $0x38;
	[tilespmem:$0x1F000] =	vst v63  }
0x37: {  	_ =	swait.ge [sflag:s29], $0x1400  }
0x38: {  	[sflag:s29] =	ssyncset.done $0x0  }
0x39: {  	s17 =	rddreg [dreg:$0x8];
	[sflag:s29] =	ssyncadd.s32 $0xFFFFEC00  }
0x3a: {  	[spmem:s17] =	stream.linear.scatter [tilespmem:s31], [sflag:$0x5], $0x1400, $0x38;
	[tilespmem:$0x1F000] =	vst v63  }
0x3b: {  	_ =	swait.ge [sflag:s29], $0x1400  }
0x3c: {  	[sflag:s29] =	ssyncset.done $0x0  }
0x3d: {  	s18 =	rddreg [dreg:$0x9];
	[sflag:s29] =	ssyncadd.s32 $0xFFFFEC00  }
0x3e: {  	[spmem:s18] =	stream.linear.scatter [tilespmem:s31], [sflag:$0x5], $0x1400, $0x38;
	[tilespmem:$0x1F000] =	vst v63  }
0x3f: {  	_ =	swait.ge [sflag:s29], $0x1400  }
0x40: {  	[sflag:s29] =	ssyncset.done $0x0  }
0x41: {  	s19 =	rddreg [dreg:$0xa];
	[sflag:s29] =	ssyncadd.s32 $0xFFFFEC00  }
0x42: {  	[spmem:s19] =	stream.linear.scatter [tilespmem:s31], [sflag:$0x5], $0x1400, $0x38;
	[tilespmem:$0x1F000] =	vst v63  }
0x43: {  	_ =	swait.ge [sflag:s29], $0x1400  }
0x44: {  	[sflag:s29] =	ssyncset.done $0x0  }
0x45: {  	s16 =	rddreg [dreg:$0xb];
	[sflag:s29] =	ssyncadd.s32 $0xFFFFEC00  }
0x46: {  	[spmem:s16] =	stream.linear.scatter [tilespmem:s31], [sflag:$0x5], $0x1400, $0x38;
	[tilespmem:$0x1F000] =	vst v63  }
0x47: {  	_ =	swait.ge [sflag:s29], $0x1400  }
0x48: {  	[sflag:s29] =	ssyncset.done $0x0  }
0x49: {  	s17 =	rddreg [dreg:$0xc];
	[sflag:s29] =	ssyncadd.s32 $0xFFFFEC00  }
0x4a: {  	[spmem:s17] =	stream.linear.scatter [tilespmem:s31], [sflag:$0x5], $0x1400, $0x38;
	[tilespmem:$0x1F000] =	vst v63  }
0x4b: {  	_ =	swait.ge [sflag:s29], $0x1400  }
0x4c: {  	[sflag:s29] =	ssyncset.done $0x0  }
0x4d: {  	s18 =	rddreg [dreg:$0xd];
	[sflag:s29] =	ssyncadd.s32 $0xFFFFEC00  }
0x4e: {  	[spmem:s18] =	stream.linear.scatter [tilespmem:s31], [sflag:$0x5], $0x1400, $0x38;
	[tilespmem:$0x1F000] =	vst v63  }
0x4f: {  	_ =	swait.ge [sflag:s29], $0x1400  }
0x50: {  	[sflag:s29] =	ssyncset.done $0x0  }
0x51: {  	s19 =	rddreg [dreg:$0xe];
	[sflag:s29] =	ssyncadd.s32 $0xFFFFEC00  }
0x52: {  	[spmem:s19] =	stream.linear.scatter [tilespmem:s31], [sflag:$0x5], $0x1400, $0x38;
	[tilespmem:$0x1F000] =	vst v63  }
0x53: {  	_ =	swait.ge [sflag:s29], $0x1400  }
0x54: {  	[sflag:s29] =	ssyncset.done $0x0  }
0x55: {  	[sflag:s29] =	ssyncadd.s32 $0xFFFFEC00  }
0x56: {  	[spmem:s20] =	stream.linear.scatter [tilespmem:s31], [sflag:$0x5], $0x1400, $0x38;
	[tilespmem:$0x1F000] =	vst v63  }
0x57: {  	_ =	swait.ge [sflag:s29], $0x1400  }
0x58: {  	[sflag:s29] =	ssyncset.done $0x0  }
0x59: {  	[sflag:s29] =	ssyncadd.s32 $0xFFFFEC00  }
0x5a: {  	[spmem:s21] =	stream.linear.scatter [tilespmem:s31], [sflag:$0x5], $0x1400, $0x38;
	[tilespmem:$0x1F000] =	vst v63  }
0x5b: {  	_ =	swait.ge [sflag:s29], $0x1400  }
0x5c: {  	[sflag:s29] =	ssyncset.done $0x0  }
0x5d: {  	[sflag:s29] =	ssyncadd.s32 $0xFFFFEC00  }
0x5e: {  	[spmem:s22] =	stream.linear.scatter [tilespmem:s31], [sflag:$0x5], $0x1400, $0x38;
	[tilespmem:$0x1F000] =	vst v63  }
0x5f: {  	_ =	swait.ge [sflag:s29], $0x1400  }
0x60: {  	[sflag:s29] =	ssyncset.done $0x0  }
0x61: {  	[sflag:s29] =	ssyncadd.s32 $0xFFFFEC00  }
0x62: {  	[spmem:s23] =	stream.linear.scatter [tilespmem:s31], [sflag:$0x5], $0x1400, $0x38;
	[tilespmem:$0x1F000] =	vst v63  }
0x63: {  	_ =	swait.ge [sflag:s29], $0x1400  }
0x64: {  	[sflag:s29] =	ssyncset.done $0x0  }
0x65: {  	[sflag:s29] =	ssyncadd.s32 $0xFFFFEC00  }
0x66: {  	[spmem:s24] =	stream.linear.scatter [tilespmem:s31], [sflag:$0x5], $0x1400, $0x38;
	[tilespmem:$0x1F000] =	vst v63  }
0x67: {  	_ =	swait.ge [sflag:s29], $0x1400  }
0x68: {  	[sflag:s29] =	ssyncset.done $0x0  }
0x69: {  	[sflag:s29] =	ssyncadd.s32 $0xFFFFEC00  }
0x6a: {  	[spmem:s26] =	stream.linear.scatter [tilespmem:s31], [sflag:$0x5], $0x1400, $0x38;
	[tilespmem:$0x1F000] =	vst v63  }
0x6b: {  	_ =	swait.ge [sflag:s29], $0x1400  }
0x6c: {  	[sflag:s29] =	ssyncset.done $0x0  }
0x6d: {  	[sflag:s29] =	ssyncadd.s32 $0xFFFFEC00  }
0x6e: {  	[spmem:s28] =	stream.linear.scatter [tilespmem:s31], [sflag:$0x5], $0x1400, $0x38;
	[tilespmem:$0x1F000] =	vst v63  }
0x6f: {  	_ =	swait.ge [sflag:s29], $0x1400  }
0x70: {  	[sflag:s29] =	ssyncset.done $0x0  }
0x71: {  	[sflag:s29] =	ssyncadd.s32 $0xFFFFEC00  }
0x72: {  	[bflag:$0x0] =	sbarrier.arrive $0xFFFF  }
0x73: {  	v1 =	vld [tilespmem:$0x2780]  }
0x74: {  	v2 =	vld [tilespmem:$0x2790]  }
0x75: {  	v3 =	vld [tilespmem:$0x27A0];
	_ =	sdelay $0x2  }
0x76: {  	[tilespmem:$0xAF00] =	vst v1  }
.Ltmp1:
0x77: {  	[tilespmem:$0xAF10] =	vst v2;
	(pc) =	sbr.rel .LBB2_4-.Ltmp1, $4  }
0x78: {  	s15 =	simm.s32 $0x0;
	[tilespmem:$0xAF20] =	vst v3  }
0x79: {  	[tilespmem:s31], [sflag:$0x1] =	stream.indirect.gather [hbm4b:s1+s2], $0x80, s15, s2, $0xb8;
	[tilespmem:$0x1F000] =	vst v63  }
0x7a: {  	s17 =	simm.s32 $0x7F00;
	s16 =	rddreg [dreg:$0x6]  }
0x7b: {  	[tilespmem:s17], [sflag:$0x3] =	stream.linear.gather [hbm4b:s16+s15], $0x1800, $0x38;
	[tilespmem:$0x1F000] =	vst v63  }
.LBB2_10:
0x7c: {  	s15 =	sadd.s32 $0x1, s15  }
0x7d: {  	p0 =	sne.s32 s15, $0x69  }
.Ltmp2:
0x7e: {  	_ = 	snop;
	(pc) =	sbr.rel @!p0 .LBB2_11-.Ltmp2, $1  }
0x7f: {  	_ =	sdelay $0x3  }
.LBB2_4:
0x80: {  	s16 =	sshllo.u32 s15, $0x1  }
0x81: {  	p0 =	sgt.u32 s16, $0xD0  }
0x82: {  	s16 =	smul.u32 @!p0 $0x30, s16;
	_ =	sdelay $0x1  }
0x83: {  	v1 =	vld @!p0 [tilespmem:s16+$0x2780];
	_ =	sdelay $0x4  }
0x84: {  	[tilespmem:$0xAF80] =	vst @!p0 v1  }
0x85: {  	v1 =	vld @!p0 [tilespmem:s16+$0x2790];
	_ =	sdelay $0x4  }
0x86: {  	[tilespmem:$0xAF90] =	vst @!p0 v1  }
0x87: {  	v1 =	vld @!p0 [tilespmem:s16+$0x27A0];
	_ =	sdelay $0x4  }
0x88: {  	s17 =	simm.s32 @!p0 $0x30;
	s18 =	simm.s32 @!p0 $0x6700;
	[tilespmem:$0xAFA0] =	vst @!p0 v1  }
0x89: {  	[tilespmem:s18], [sflag:$0x2] =	stream.indirect.gather @!p0 [hbm4b:s1+s17], $0x80, s16, s17, $0xb8;
	[tilespmem:$0x1F000] =	vst v63  }
0x8a: {  	s16 =	sadd.s32 @!p0 s4, s16  }
0x8b: {  	s16 =	sshll.u32 @!p0 s16, $0x4  }
0x8c: {  	s17 =	simm.s32 @!p0 $0x0;
	s18 =	simm.s32 @!p0 $0x9700;
	s16 =	sadd.s32 @!p0 s6, s16  }
0x8d: {  	[tilespmem:s18], [sflag:$0x4] =	stream.linear.gather @!p0 [hbm4b:s16+s17], $0x1800, $0x38;
	[tilespmem:$0x1F000] =	vst v63  }
0x8e: {  	_ =	swait.ge [sflag:s30], $0x1800  }
0x8f: {  	[sflag:s30] =	ssyncset.done $0x0  }
0x90: {  	[sflag:s30] =	ssyncadd.s32 $0xFFFFE800  }
0x91: {  	_ =	swait.ge [sflag:s0], $0x1800  }
0x92: {  	[sflag:s0] =	ssyncset.done $0x0  }
0x93: {  	s16 =	simm.s32 $0x0;
	[sflag:s0] =	ssyncadd.s32 $0xFFFFE800  }
0x94: {  	v7 =	vld [tilespmem:s16+$0x7F00]  }
0x95: {  	v8 =	vld [tilespmem:s16+$0x7F10]  }
0x96: {  	v9 =	vld [tilespmem:s16+$0x7F20]  }
0x97: {  	v10 =	vld [tilespmem:s16+$0x7F30]  }
0x98: {  	v11 =	vld [tilespmem:s16+$0x7F40]  }
0x99: {  	v12 =	vld [tilespmem:s16+$0x7F50]  }
0x9a: {  	v13 =	vld [tilespmem:s16+$0x7F60]  }
0x9b: {  	v14 =	vld [tilespmem:s16+$0x7F70]  }
0x9c: {  	v15 =	vld [tilespmem:s16+$0x7F80]  }
0x9d: {  	v16 =	vld [tilespmem:s16+$0x7F90]  }
0x9e: {  	v17 =	vld [tilespmem:s16+$0x7FA0]  }
0x9f: {  	v18 =	vld [tilespmem:s16+$0x7FB0]  }
0xa0: {  	v19 =	vld [tilespmem:s16+$0x7FC0]  }
0xa1: {  	v20 =	vld [tilespmem:s16+$0x7FD0]  }
0xa2: {  	v21 =	vld [tilespmem:s16+$0x7FE0]  }
0xa3: {  	v22 =	vld [tilespmem:s16+$0x7FF0]  }
0xa4: {  	v23 =	vld [tilespmem:s16+$0x8000]  }
0xa5: {  	v24 =	vld [tilespmem:s16+$0x8010]  }
0xa6: {  	v25 =	vld [tilespmem:s16+$0x8020]  }
0xa7: {  	v26 =	vld [tilespmem:s16+$0x8030]  }
0xa8: {  	v27 =	vld [tilespmem:s16+$0x8040]  }
0xa9: {  	v33 =	vld [tilespmem:s16+$0x4F00]  }
0xaa: {  	v28 =	vld [tilespmem:s16+$0x8050]  }
0xab: {  	v34 =	vld [tilespmem:s16+$0x4F10]  }
0xac: {  	v35 =	vld [tilespmem:s16+$0x4F20]  }
0xad: {  	v29 =	vld [tilespmem:s16+$0x8060]  }
0xae: {  	v36 =	vld [tilespmem:s16+$0x4F30];
	v7 =	vadd.f32 v7, v33  }
0xaf: {  	v37 =	vld [tilespmem:s16+$0x4F40]  }
0xb0: {  	v30 =	vld [tilespmem:s16+$0x8070];
	v8 =	vadd.f32 v8, v34;
	v7 =	vmax.f32 v7, $0.0e+00  }
0xb1: {  	v61 =	vld [tilespmem:s16+$0x4F50];
	[tilespmem:s16+$0x4F00] =	vst v7;
	v7 =	vadd.f32 v9, v35  }
0xb2: {  	v38 =	vld [tilespmem:s16+$0x4F60];
	v8 =	vmax.f32 v8, $0.0e+00  }
0xb3: {  	v31 =	vld [tilespmem:s16+$0x8080];
	[tilespmem:s16+$0x4F10] =	vst v8;
	v8 =	vadd.f32 v10, v36;
	v7 =	vmax.f32 v7, $0.0e+00  }
0xb4: {  	v62 =	vld [tilespmem:s16+$0x4F70];
	[tilespmem:s16+$0x4F20] =	vst v7;
	v7 =	vadd.f32 v11, v37  }
0xb5: {  	v9 =	vld [tilespmem:s16+$0x4F80];
	v8 =	vmax.f32 v8, $0.0e+00  }
0xb6: {  	v32 =	vld [tilespmem:s16+$0x8090];
	[tilespmem:s16+$0x4F30] =	vst v8;
	v8 =	vadd.f32 v12, v61;
	v7 =	vmax.f32 v7, $0.0e+00  }
0xb7: {  	v10 =	vld [tilespmem:s16+$0x4F90];
	[tilespmem:s16+$0x4F40] =	vst v7;
	v7 =	vadd.f32 v13, v38  }
0xb8: {  	v11 =	vld [tilespmem:s16+$0x4FA0];
	v8 =	vmax.f32 v8, $0.0e+00  }
0xb9: {  	v6 =	vld [tilespmem:s16+$0x80A0];
	[tilespmem:s16+$0x4F50] =	vst v8;
	v8 =	vadd.f32 v14, v62;
	v7 =	vmax.f32 v7, $0.0e+00  }
0xba: {  	v12 =	vld [tilespmem:s16+$0x4FB0];
	[tilespmem:s16+$0x4F60] =	vst v7;
	v7 =	vadd.f32 v15, v9  }
0xbb: {  	v13 =	vld [tilespmem:s16+$0x4FC0];
	v8 =	vmax.f32 v8, $0.0e+00  }
0xbc: {  	v5 =	vld [tilespmem:s16+$0x80B0];
	[tilespmem:s16+$0x4F70] =	vst v8;
	v8 =	vadd.f32 v16, v10;
	v7 =	vmax.f32 v7, $0.0e+00  }
0xbd: {  	v14 =	vld [tilespmem:s16+$0x4FD0];
	[tilespmem:s16+$0x4F80] =	vst v7;
	v7 =	vadd.f32 v17, v11  }
0xbe: {  	v9 =	vld [tilespmem:s16+$0x4FE0];
	v8 =	vmax.f32 v8, $0.0e+00  }
0xbf: {  	v4 =	vld [tilespmem:s16+$0x80C0];
	[tilespmem:s16+$0x4F90] =	vst v8;
	v8 =	vadd.f32 v18, v12;
	v7 =	vmax.f32 v7, $0.0e+00  }
0xc0: {  	v10 =	vld [tilespmem:s16+$0x4FF0];
	[tilespmem:s16+$0x4FA0] =	vst v7;
	v7 =	vadd.f32 v19, v13  }
0xc1: {  	v11 =	vld [tilespmem:s16+$0x5000];
	v8 =	vmax.f32 v8, $0.0e+00  }
0xc2: {  	v3 =	vld [tilespmem:s16+$0x80D0];
	[tilespmem:s16+$0x4FB0] =	vst v8;
	v8 =	vadd.f32 v20, v14;
	v7 =	vmax.f32 v7, $0.0e+00  }
0xc3: {  	v12 =	vld [tilespmem:s16+$0x5010];
	[tilespmem:s16+$0x4FC0] =	vst v7;
	v7 =	vadd.f32 v21, v9  }
0xc4: {  	v13 =	vld [tilespmem:s16+$0x5020];
	v8 =	vmax.f32 v8, $0.0e+00  }
0xc5: {  	v2 =	vld [tilespmem:s16+$0x80E0];
	[tilespmem:s16+$0x4FD0] =	vst v8;
	v8 =	vadd.f32 v22, v10;
	v7 =	vmax.f32 v7, $0.0e+00  }
0xc6: {  	v14 =	vld [tilespmem:s16+$0x5030];
	[tilespmem:s16+$0x4FE0] =	vst v7;
	v7 =	vadd.f32 v23, v11  }
0xc7: {  	v9 =	vld [tilespmem:s16+$0x5040];
	v8 =	vmax.f32 v8, $0.0e+00  }
0xc8: {  	v1 =	vld [tilespmem:s16+$0x80F0];
	[tilespmem:s16+$0x4FF0] =	vst v8;
	v8 =	vadd.f32 v24, v12;
	v7 =	vmax.f32 v7, $0.0e+00  }
0xc9: {  	v10 =	vld [tilespmem:s16+$0x5050];
	[tilespmem:s16+$0x5000] =	vst v7;
	v7 =	vadd.f32 v25, v13  }
0xca: {  	v15 =	vld [tilespmem:s16+$0x5060];
	v8 =	vmax.f32 v8, $0.0e+00  }
0xcb: {  	v12 =	vld [tilespmem:s16+$0x5070];
	[tilespmem:s16+$0x5010] =	vst v8;
	v8 =	vadd.f32 v26, v14;
	v7 =	vmax.f32 v7, $0.0e+00  }
0xcc: {  	v13 =	vld [tilespmem:s16+$0x5080];
	[tilespmem:s16+$0x5020] =	vst v7;
	v7 =	vadd.f32 v27, v9  }
0xcd: {  	v63 =	vld [tilespmem:s16+$0x5090];
	v8 =	vmax.f32 v8, $0.0e+00  }
0xce: {  	v11 =	vld [tilespmem:s16+$0x50A0];
	[tilespmem:s16+$0x5030] =	vst v8;
	v8 =	vadd.f32 v28, v10;
	v7 =	vmax.f32 v7, $0.0e+00  }
0xcf: {  	v10 =	vld [tilespmem:s16+$0x50B0];
	[tilespmem:s16+$0x5040] =	vst v7;
	v7 =	vadd.f32 v29, v15  }
0xd0: {  	v12 =	vadd.f32 v30, v12;
	v9 =	vld [tilespmem:s16+$0x50C0];
	v8 =	vmax.f32 v8, $0.0e+00  }
0xd1: {  	v13 =	vadd.f32 v31, v13;
	[tilespmem:s16+$0x5050] =	vst v8;
	v8 =	vld [tilespmem:s16+$0x50D0];
	v7 =	vmax.f32 v7, $0.0e+00  }
0xd2: {  	s17 =	simm.s32 $0x800;
	v14 =	vmax.f32 v12, $0.0e+00;
	v12 =	vadd.f32 v32, v63;
	[tilespmem:s16+$0x5060] =	vst v7;
	v7 =	vld [tilespmem:s16+$0x50E0]  }
.LBB2_5:
0xd3: {  	s18 =	sshra.s32 s17, $0x2;
	p1 =	sne.s32 s17, $0x5800;
	[tilespmem:s16+$0x5070] =	vst v14;
	v13 =	vmax.f32 v13, $0.0e+00;
	v6 =	vadd.f32 v6, v11;
	v11 =	vld [tilespmem:s16+$0x50F0]  }
0xd4: {  	v14 =	vld [tilespmem:s18+$0x7F00];
	[tilespmem:s16+$0x5080] =	vst v13;
	v12 =	vmax.f32 v12, $0.0e+00;
	v5 =	vadd.f32 v5, v10  }
0xd5: {  	v13 =	vld [tilespmem:s18+$0x7F10];
	[tilespmem:s16+$0x5090] =	vst v12;
	v6 =	vmax.f32 v6, $0.0e+00;
	v4 =	vadd.f32 v4, v9  }
0xd6: {  	v15 =	vld [tilespmem:s18+$0x7F20];
	[tilespmem:s16+$0x50A0] =	vst v6;
	v5 =	vmax.f32 v5, $0.0e+00;
	v3 =	vadd.f32 v3, v8  }
0xd7: {  	v16 =	vld [tilespmem:s18+$0x7F30];
	[tilespmem:s16+$0x50B0] =	vst v5;
	v4 =	vmax.f32 v4, $0.0e+00;
	v2 =	vadd.f32 v2, v7  }
0xd8: {  	v17 =	vld [tilespmem:s18+$0x7F40];
	[tilespmem:s16+$0x50C0] =	vst v4;
	v3 =	vmax.f32 v3, $0.0e+00;
	v1 =	vadd.f32 v1, v11  }
0xd9: {  	v18 =	vld [tilespmem:s18+$0x7F50];
	[tilespmem:s16+$0x50D0] =	vst v3;
	v2 =	vmax.f32 v2, $0.0e+00  }
0xda: {  	v19 =	vld [tilespmem:s18+$0x7F60];
	[tilespmem:s16+$0x50E0] =	vst v2;
	v1 =	vmax.f32 v1, $0.0e+00  }
0xdb: {  	v20 =	vld [tilespmem:s18+$0x7F70];
	[tilespmem:s16+$0x50F0] =	vst v1;
	s16 =	smov.u32 s18  }
0xdc: {  	v21 =	vld [tilespmem:s16+$0x7F80]  }
0xdd: {  	v22 =	vld [tilespmem:s16+$0x7F90]  }
0xde: {  	v23 =	vld [tilespmem:s16+$0x7FA0]  }
0xdf: {  	v24 =	vld [tilespmem:s16+$0x7FB0]  }
0xe0: {  	v25 =	vld [tilespmem:s16+$0x7FC0]  }
0xe1: {  	v26 =	vld [tilespmem:s16+$0x7FD0]  }
0xe2: {  	v27 =	vld [tilespmem:s16+$0x7FE0]  }
0xe3: {  	v28 =	vld [tilespmem:s16+$0x7FF0]  }
0xe4: {  	v29 =	vld [tilespmem:s16+$0x8000]  }
0xe5: {  	v30 =	vld [tilespmem:s16+$0x8010]  }
0xe6: {  	v31 =	vld [tilespmem:s16+$0x8020]  }
0xe7: {  	v32 =	vld [tilespmem:s16+$0x8030]  }
0xe8: {  	v12 =	vld [tilespmem:s16+$0x8040]  }
0xe9: {  	v11 =	vld [tilespmem:s16+$0x8050]  }
0xea: {  	v10 =	vld [tilespmem:s16+$0x8060]  }
0xeb: {  	v9 =	vld [tilespmem:s16+$0x8070]  }
0xec: {  	v8 =	vld [tilespmem:s16+$0x8080]  }
0xed: {  	v7 =	vld [tilespmem:s16+$0x8090]  }
0xee: {  	v6 =	vld [tilespmem:s16+$0x80A0]  }
0xef: {  	v5 =	vld [tilespmem:s16+$0x80B0]  }
0xf0: {  	v4 =	vld [tilespmem:s16+$0x80C0]  }
0xf1: {  	v3 =	vld [tilespmem:s16+$0x80D0]  }
0xf2: {  	v2 =	vld [tilespmem:s16+$0x80E0]  }
0xf3: {  	v1 =	vld [tilespmem:s16+$0x80F0]  }
0xf4: {  	v33 =	vld [tilespmem:s16+$0x4F00]  }
0xf5: {  	v34 =	vld [tilespmem:s16+$0x4F10]  }
0xf6: {  	v35 =	vld [tilespmem:s16+$0x4F20]  }
0xf7: {  	v36 =	vld [tilespmem:s16+$0x4F30]  }
0xf8: {  	v37 =	vld [tilespmem:s16+$0x4F40]  }
0xf9: {  	v14 =	vadd.f32 v14, v33;
	v33 =	vld [tilespmem:s16+$0x4F50]  }
0xfa: {  	v13 =	vadd.f32 v13, v34;
	v34 =	vld [tilespmem:s16+$0x4F60]  }
0xfb: {  	v14 =	vmax.f32 v14, $0.0e+00;
	v15 =	vadd.f32 v15, v35;
	v35 =	vld [tilespmem:s16+$0x4F70]  }
0xfc: {  	[tilespmem:s16+$0x4F00] =	vst v14;
	v13 =	vmax.f32 v13, $0.0e+00;
	v14 =	vadd.f32 v16, v36;
	v16 =	vld [tilespmem:s16+$0x4F80]  }
0xfd: {  	[tilespmem:s16+$0x4F10] =	vst v13;
	v13 =	vmax.f32 v15, $0.0e+00;
	v15 =	vadd.f32 v17, v37;
	v17 =	vld [tilespmem:s16+$0x4F90]  }
0xfe: {  	[tilespmem:s16+$0x4F20] =	vst v13;
	v13 =	vmax.f32 v14, $0.0e+00;
	v14 =	vadd.f32 v18, v33;
	v18 =	vld [tilespmem:s16+$0x4FA0]  }
0xff: {  	[tilespmem:s16+$0x4F30] =	vst v13;
	v13 =	vmax.f32 v15, $0.0e+00;
	v15 =	vadd.f32 v19, v34;
	v19 =	vld [tilespmem:s16+$0x4FB0]  }
0x100: {  	[tilespmem:s16+$0x4F40] =	vst v13;
	v13 =	vmax.f32 v14, $0.0e+00;
	v14 =	vadd.f32 v20, v35;
	v20 =	vld [tilespmem:s16+$0x4FC0]  }
0x101: {  	[tilespmem:s16+$0x4F50] =	vst v13;
	v13 =	vmax.f32 v15, $0.0e+00;
	v15 =	vadd.f32 v21, v16;
	v16 =	vld [tilespmem:s16+$0x4FD0]  }
0x102: {  	[tilespmem:s16+$0x4F60] =	vst v13;
	v13 =	vmax.f32 v14, $0.0e+00;
	v14 =	vadd.f32 v22, v17;
	v17 =	vld [tilespmem:s16+$0x4FE0]  }
0x103: {  	[tilespmem:s16+$0x4F70] =	vst v13;
	v13 =	vmax.f32 v15, $0.0e+00;
	v15 =	vadd.f32 v23, v18;
	v18 =	vld [tilespmem:s16+$0x4FF0]  }
0x104: {  	[tilespmem:s16+$0x4F80] =	vst v13;
	v13 =	vmax.f32 v14, $0.0e+00;
	v14 =	vadd.f32 v24, v19;
	v19 =	vld [tilespmem:s16+$0x5000]  }
0x105: {  	[tilespmem:s16+$0x4F90] =	vst v13;
	v13 =	vmax.f32 v15, $0.0e+00;
	v15 =	vadd.f32 v25, v20;
	v20 =	vld [tilespmem:s16+$0x5010]  }
0x106: {  	[tilespmem:s16+$0x4FA0] =	vst v13;
	v13 =	vmax.f32 v14, $0.0e+00;
	v14 =	vadd.f32 v26, v16;
	v16 =	vld [tilespmem:s16+$0x5020]  }
0x107: {  	[tilespmem:s16+$0x4FB0] =	vst v13;
	v13 =	vmax.f32 v15, $0.0e+00;
	v15 =	vadd.f32 v27, v17;
	v17 =	vld [tilespmem:s16+$0x5030]  }
0x108: {  	[tilespmem:s16+$0x4FC0] =	vst v13;
	v13 =	vmax.f32 v14, $0.0e+00;
	v14 =	vadd.f32 v28, v18;
	v18 =	vld [tilespmem:s16+$0x5040]  }
0x109: {  	[tilespmem:s16+$0x4FD0] =	vst v13;
	v13 =	vmax.f32 v15, $0.0e+00;
	v15 =	vadd.f32 v29, v19;
	v19 =	vld [tilespmem:s16+$0x5050]  }
0x10a: {  	[tilespmem:s16+$0x4FE0] =	vst v13;
	v13 =	vmax.f32 v14, $0.0e+00;
	v14 =	vadd.f32 v30, v20;
	v20 =	vld [tilespmem:s16+$0x5060]  }
0x10b: {  	[tilespmem:s16+$0x4FF0] =	vst v13;
	v13 =	vmax.f32 v15, $0.0e+00;
	v15 =	vadd.f32 v31, v16;
	v16 =	vld [tilespmem:s16+$0x5070]  }
0x10c: {  	[tilespmem:s16+$0x5000] =	vst v13;
	v13 =	vmax.f32 v14, $0.0e+00;
	v14 =	vadd.f32 v32, v17;
	v17 =	vld [tilespmem:s16+$0x5080]  }
0x10d: {  	[tilespmem:s16+$0x5010] =	vst v13;
	v13 =	vmax.f32 v15, $0.0e+00;
	v12 =	vadd.f32 v12, v18;
	v15 =	vld [tilespmem:s16+$0x5090]  }
.Ltmp3:
0x10e: {  	[tilespmem:s16+$0x5020] =	vst v13;
	v13 =	vmax.f32 v14, $0.0e+00;
	v14 =	vadd.f32 v11, v19;
	v11 =	vld [tilespmem:s16+$0x50A0];
	(pc) =	sbr.rel @p1 .LBB2_5-.Ltmp3, $4  }
0x10f: {  	[tilespmem:s16+$0x5030] =	vst v13;
	v12 =	vmax.f32 v12, $0.0e+00;
	v13 =	vadd.f32 v10, v20;
	v10 =	vld [tilespmem:s16+$0x50B0]  }
0x110: {  	[tilespmem:s16+$0x5040] =	vst v12;
	v12 =	vmax.f32 v14, $0.0e+00;
	v14 =	vadd.f32 v9, v16;
	v9 =	vld [tilespmem:s16+$0x50C0]  }
0x111: {  	[tilespmem:s16+$0x5050] =	vst v12;
	v12 =	vmax.f32 v13, $0.0e+00;
	v13 =	vadd.f32 v8, v17;
	v8 =	vld [tilespmem:s16+$0x50D0]  }
0x112: {  	s17 =	sadd.s32 $0x800, s17;
	[tilespmem:s16+$0x5060] =	vst v12;
	v14 =	vmax.f32 v14, $0.0e+00;
	v12 =	vadd.f32 v7, v15;
	v7 =	vld [tilespmem:s16+$0x50E0]  }
0x113: {  	[tilespmem:s16+$0x5070] =	vst v14;
	v13 =	vmax.f32 v13, $0.0e+00;
	v6 =	vadd.f32 v6, v11;
	v63 =	vld [tilespmem:s16+$0x50F0]  }
0x114: {  	[tilespmem:s16+$0x5080] =	vst v13;
	v12 =	vmax.f32 v12, $0.0e+00;
	v5 =	vadd.f32 v5, v10  }
0x115: {  	[tilespmem:s16+$0x5090] =	vst v12;
	v6 =	vmax.f32 v6, $0.0e+00;
	v4 =	vadd.f32 v4, v9  }
0x116: {  	[tilespmem:s16+$0x50A0] =	vst v6;
	v5 =	vmax.f32 v5, $0.0e+00;
	v3 =	vadd.f32 v3, v8  }
0x117: {  	[tilespmem:s16+$0x50B0] =	vst v5;
	v4 =	vmax.f32 v4, $0.0e+00;
	v2 =	vadd.f32 v2, v7  }
0x118: {  	[tilespmem:s16+$0x50C0] =	vst v4;
	v3 =	vmax.f32 v3, $0.0e+00;
	v1 =	vadd.f32 v1, v63  }
0x119: {  	[tilespmem:s16+$0x50D0] =	vst v3;
	v2 =	vmax.f32 v2, $0.0e+00  }
0x11a: {  	[tilespmem:s16+$0x50E0] =	vst v2;
	v1 =	vmax.f32 v1, $0.0e+00  }
0x11b: {  	[tilespmem:s16+$0x50F0] =	vst v1  }
0x11c: {  	[spmem:s3] =	stream.indirect.scatter.add.f32 [tilespmem:s31], [sflag:$0x6], $0x80, s5, s2, $0xb8;
	[tilespmem:$0x1F000] =	vst v63  }
0x11d: {  	p1 =	seq.s32 s15, $0x68;
	_ =	swait.ge [sflag:s7], $0x1800  }
0x11e: {  	s16 =	smul.u32 @!p1 $0x60, s15;
	[sflag:s7] =	ssyncset.done $0x0  }
0x11f: {  	[sflag:s7] =	ssyncadd.s32 $0xFFFFE800  }
0x120: {  	v1 =	vld @!p1 [tilespmem:s16+$0x27E0];
	_ =	sdelay $0x4  }
0x121: {  	[tilespmem:$0xAF00] =	vst @!p1 v1  }
0x122: {  	v1 =	vld @!p1 [tilespmem:s16+$0x27F0];
	_ =	sdelay $0x4  }
0x123: {  	[tilespmem:$0xAF10] =	vst @!p1 v1  }
0x124: {  	v1 =	vld @!p1 [tilespmem:s16+$0x2800];
	_ =	sdelay $0x4  }
0x125: {  	s17 =	simm.s32 @!p1 $0x30;
	s18 =	simm.s32 @!p1 $0x4F00;
	s16 =	sadd.s32 @!p1 $0x60, s16;
	[tilespmem:$0xAF20] =	vst @!p1 v1  }
0x126: {  	[tilespmem:s18], [sflag:$0x1] =	stream.indirect.gather @!p1 [hbm4b:s1+s17], $0x80, s16, s17, $0xb8;
	[tilespmem:$0x1F000] =	vst v63  }
.Ltmp4:
0x127: {  	_ = 	snop;
	(pc) =	sbr.rel @p0 .LBB2_10-.Ltmp4, $4  }
0x128: {  	s16 =	sadd.s32 @!p1 s4, s16  }
0x129: {  	s16 =	sshll.u32 @!p1 s16, $0x4  }
0x12a: {  	s17 =	simm.s32 @!p1 $0x0;
	s18 =	simm.s32 @!p1 $0x7F00;
	s16 =	sadd.s32 @!p1 s6, s16  }
0x12b: {  	[tilespmem:s18], [sflag:$0x3] =	stream.linear.gather @!p1 [hbm4b:s16+s17], $0x1800, $0x38;
	[tilespmem:$0x1F000] =	vst v63  }
0x12c: {  	_ =	swait.ge [sflag:s8], $0x1800  }
0x12d: {  	[sflag:s8] =	ssyncset.done $0x0  }
0x12e: {  	[sflag:s8] =	ssyncadd.s32 $0xFFFFE800  }
0x12f: {  	_ =	swait.ge [sflag:s9], $0x1800  }
0x130: {  	[sflag:s9] =	ssyncset.done $0x0  }
0x131: {  	s16 =	simm.s32 $0x0;
	[sflag:s9] =	ssyncadd.s32 $0xFFFFE800  }
0x132: {  	v7 =	vld [tilespmem:s16+$0x9700]  }
0x133: {  	v8 =	vld [tilespmem:s16+$0x9710]  }
0x134: {  	v9 =	vld [tilespmem:s16+$0x9720]  }
0x135: {  	v10 =	vld [tilespmem:s16+$0x9730]  }
0x136: {  	v11 =	vld [tilespmem:s16+$0x9740]  }
0x137: {  	v12 =	vld [tilespmem:s16+$0x9750]  }
0x138: {  	v13 =	vld [tilespmem:s16+$0x9760]  }
0x139: {  	v14 =	vld [tilespmem:s16+$0x9770]  }
0x13a: {  	v15 =	vld [tilespmem:s16+$0x9780]  }
0x13b: {  	v16 =	vld [tilespmem:s16+$0x9790]  }
0x13c: {  	v17 =	vld [tilespmem:s16+$0x97A0]  }
0x13d: {  	v18 =	vld [tilespmem:s16+$0x97B0]  }
0x13e: {  	v19 =	vld [tilespmem:s16+$0x97C0]  }
0x13f: {  	v20 =	vld [tilespmem:s16+$0x97D0]  }
0x140: {  	v21 =	vld [tilespmem:s16+$0x97E0]  }
0x141: {  	v22 =	vld [tilespmem:s16+$0x97F0]  }
0x142: {  	v23 =	vld [tilespmem:s16+$0x9800]  }
0x143: {  	v24 =	vld [tilespmem:s16+$0x9810]  }
0x144: {  	v25 =	vld [tilespmem:s16+$0x9820]  }
0x145: {  	v26 =	vld [tilespmem:s16+$0x9830]  }
0x146: {  	v27 =	vld [tilespmem:s16+$0x9840]  }
0x147: {  	v33 =	vld [tilespmem:s16+$0x6700]  }
0x148: {  	v28 =	vld [tilespmem:s16+$0x9850]  }
0x149: {  	v34 =	vld [tilespmem:s16+$0x6710]  }
0x14a: {  	v35 =	vld [tilespmem:s16+$0x6720]  }
0x14b: {  	v29 =	vld [tilespmem:s16+$0x9860]  }
0x14c: {  	v36 =	vld [tilespmem:s16+$0x6730];
	v7 =	vadd.f32 v7, v33  }
0x14d: {  	v37 =	vld [tilespmem:s16+$0x6740]  }
0x14e: {  	v30 =	vld [tilespmem:s16+$0x9870];
	v8 =	vadd.f32 v8, v34;
	v7 =	vmax.f32 v7, $0.0e+00  }
0x14f: {  	v61 =	vld [tilespmem:s16+$0x6750];
	[tilespmem:s16+$0x6700] =	vst v7;
	v7 =	vadd.f32 v9, v35  }
0x150: {  	v38 =	vld [tilespmem:s16+$0x6760];
	v8 =	vmax.f32 v8, $0.0e+00  }
0x151: {  	v31 =	vld [tilespmem:s16+$0x9880];
	[tilespmem:s16+$0x6710] =	vst v8;
	v8 =	vadd.f32 v10, v36;
	v7 =	vmax.f32 v7, $0.0e+00  }
0x152: {  	v62 =	vld [tilespmem:s16+$0x6770];
	[tilespmem:s16+$0x6720] =	vst v7;
	v7 =	vadd.f32 v11, v37  }
0x153: {  	v9 =	vld [tilespmem:s16+$0x6780];
	v8 =	vmax.f32 v8, $0.0e+00  }
0x154: {  	v32 =	vld [tilespmem:s16+$0x9890];
	[tilespmem:s16+$0x6730] =	vst v8;
	v8 =	vadd.f32 v12, v61;
	v7 =	vmax.f32 v7, $0.0e+00  }
0x155: {  	v10 =	vld [tilespmem:s16+$0x6790];
	[tilespmem:s16+$0x6740] =	vst v7;
	v7 =	vadd.f32 v13, v38  }
0x156: {  	v11 =	vld [tilespmem:s16+$0x67A0];
	v8 =	vmax.f32 v8, $0.0e+00  }
0x157: {  	v6 =	vld [tilespmem:s16+$0x98A0];
	[tilespmem:s16+$0x6750] =	vst v8;
	v8 =	vadd.f32 v14, v62;
	v7 =	vmax.f32 v7, $0.0e+00  }
0x158: {  	v12 =	vld [tilespmem:s16+$0x67B0];
	[tilespmem:s16+$0x6760] =	vst v7;
	v7 =	vadd.f32 v15, v9  }
0x159: {  	v13 =	vld [tilespmem:s16+$0x67C0];
	v8 =	vmax.f32 v8, $0.0e+00  }
0x15a: {  	v5 =	vld [tilespmem:s16+$0x98B0];
	[tilespmem:s16+$0x6770] =	vst v8;
	v8 =	vadd.f32 v16, v10;
	v7 =	vmax.f32 v7, $0.0e+00  }
0x15b: {  	v14 =	vld [tilespmem:s16+$0x67D0];
	[tilespmem:s16+$0x6780] =	vst v7;
	v7 =	vadd.f32 v17, v11  }
0x15c: {  	v9 =	vld [tilespmem:s16+$0x67E0];
	v8 =	vmax.f32 v8, $0.0e+00  }
0x15d: {  	v4 =	vld [tilespmem:s16+$0x98C0];
	[tilespmem:s16+$0x6790] =	vst v8;
	v8 =	vadd.f32 v18, v12;
	v7 =	vmax.f32 v7, $0.0e+00  }
0x15e: {  	v10 =	vld [tilespmem:s16+$0x67F0];
	[tilespmem:s16+$0x67A0] =	vst v7;
	v7 =	vadd.f32 v19, v13  }
0x15f: {  	v11 =	vld [tilespmem:s16+$0x6800];
	v8 =	vmax.f32 v8, $0.0e+00  }
0x160: {  	v3 =	vld [tilespmem:s16+$0x98D0];
	[tilespmem:s16+$0x67B0] =	vst v8;
	v8 =	vadd.f32 v20, v14;
	v7 =	vmax.f32 v7, $0.0e+00  }
0x161: {  	v12 =	vld [tilespmem:s16+$0x6810];
	[tilespmem:s16+$0x67C0] =	vst v7;
	v7 =	vadd.f32 v21, v9  }
0x162: {  	v13 =	vld [tilespmem:s16+$0x6820];
	v8 =	vmax.f32 v8, $0.0e+00  }
0x163: {  	v2 =	vld [tilespmem:s16+$0x98E0];
	[tilespmem:s16+$0x67D0] =	vst v8;
	v8 =	vadd.f32 v22, v10;
	v7 =	vmax.f32 v7, $0.0e+00  }
0x164: {  	v14 =	vld [tilespmem:s16+$0x6830];
	[tilespmem:s16+$0x67E0] =	vst v7;
	v7 =	vadd.f32 v23, v11  }
0x165: {  	v9 =	vld [tilespmem:s16+$0x6840];
	v8 =	vmax.f32 v8, $0.0e+00  }
0x166: {  	v1 =	vld [tilespmem:s16+$0x98F0];
	[tilespmem:s16+$0x67F0] =	vst v8;
	v8 =	vadd.f32 v24, v12;
	v7 =	vmax.f32 v7, $0.0e+00  }
0x167: {  	v10 =	vld [tilespmem:s16+$0x6850];
	[tilespmem:s16+$0x6800] =	vst v7;
	v7 =	vadd.f32 v25, v13  }
0x168: {  	v15 =	vld [tilespmem:s16+$0x6860];
	v8 =	vmax.f32 v8, $0.0e+00  }
0x169: {  	v12 =	vld [tilespmem:s16+$0x6870];
	[tilespmem:s16+$0x6810] =	vst v8;
	v8 =	vadd.f32 v26, v14;
	v7 =	vmax.f32 v7, $0.0e+00  }
0x16a: {  	v13 =	vld [tilespmem:s16+$0x6880];
	[tilespmem:s16+$0x6820] =	vst v7;
	v7 =	vadd.f32 v27, v9  }
0x16b: {  	v63 =	vld [tilespmem:s16+$0x6890];
	v8 =	vmax.f32 v8, $0.0e+00  }
0x16c: {  	v11 =	vld [tilespmem:s16+$0x68A0];
	[tilespmem:s16+$0x6830] =	vst v8;
	v8 =	vadd.f32 v28, v10;
	v7 =	vmax.f32 v7, $0.0e+00  }
0x16d: {  	v10 =	vld [tilespmem:s16+$0x68B0];
	[tilespmem:s16+$0x6840] =	vst v7;
	v7 =	vadd.f32 v29, v15  }
0x16e: {  	v12 =	vadd.f32 v30, v12;
	v9 =	vld [tilespmem:s16+$0x68C0];
	v8 =	vmax.f32 v8, $0.0e+00  }
0x16f: {  	v13 =	vadd.f32 v31, v13;
	[tilespmem:s16+$0x6850] =	vst v8;
	v8 =	vld [tilespmem:s16+$0x68D0];
	v7 =	vmax.f32 v7, $0.0e+00  }
0x170: {  	s17 =	simm.s32 $0x800;
	v14 =	vmax.f32 v12, $0.0e+00;
	v12 =	vadd.f32 v32, v63;
	[tilespmem:s16+$0x6860] =	vst v7;
	v7 =	vld [tilespmem:s16+$0x68E0]  }
.LBB2_8:
0x171: {  	s18 =	sshra.s32 s17, $0x2;
	p0 =	sne.s32 s17, $0x5800;
	[tilespmem:s16+$0x6870] =	vst v14;
	v13 =	vmax.f32 v13, $0.0e+00;
	v6 =	vadd.f32 v6, v11;
	v11 =	vld [tilespmem:s16+$0x68F0]  }
0x172: {  	v14 =	vld [tilespmem:s18+$0x9700];
	[tilespmem:s16+$0x6880] =	vst v13;
	v12 =	vmax.f32 v12, $0.0e+00;
	v5 =	vadd.f32 v5, v10  }
0x173: {  	v13 =	vld [tilespmem:s18+$0x9710];
	[tilespmem:s16+$0x6890] =	vst v12;
	v6 =	vmax.f32 v6, $0.0e+00;
	v4 =	vadd.f32 v4, v9  }
0x174: {  	v15 =	vld [tilespmem:s18+$0x9720];
	[tilespmem:s16+$0x68A0] =	vst v6;
	v5 =	vmax.f32 v5, $0.0e+00;
	v3 =	vadd.f32 v3, v8  }
0x175: {  	v16 =	vld [tilespmem:s18+$0x9730];
	[tilespmem:s16+$0x68B0] =	vst v5;
	v4 =	vmax.f32 v4, $0.0e+00;
	v2 =	vadd.f32 v2, v7  }
0x176: {  	v17 =	vld [tilespmem:s18+$0x9740];
	[tilespmem:s16+$0x68C0] =	vst v4;
	v3 =	vmax.f32 v3, $0.0e+00;
	v1 =	vadd.f32 v1, v11  }
0x177: {  	v18 =	vld [tilespmem:s18+$0x9750];
	[tilespmem:s16+$0x68D0] =	vst v3;
	v2 =	vmax.f32 v2, $0.0e+00  }
0x178: {  	v19 =	vld [tilespmem:s18+$0x9760];
	[tilespmem:s16+$0x68E0] =	vst v2;
	v1 =	vmax.f32 v1, $0.0e+00  }
0x179: {  	v20 =	vld [tilespmem:s18+$0x9770];
	[tilespmem:s16+$0x68F0] =	vst v1;
	s16 =	smov.u32 s18  }
0x17a: {  	v21 =	vld [tilespmem:s16+$0x9780]  }
0x17b: {  	v22 =	vld [tilespmem:s16+$0x9790]  }
0x17c: {  	v23 =	vld [tilespmem:s16+$0x97A0]  }
0x17d: {  	v24 =	vld [tilespmem:s16+$0x97B0]  }
0x17e: {  	v25 =	vld [tilespmem:s16+$0x97C0]  }
0x17f: {  	v26 =	vld [tilespmem:s16+$0x97D0]  }
0x180: {  	v27 =	vld [tilespmem:s16+$0x97E0]  }
0x181: {  	v28 =	vld [tilespmem:s16+$0x97F0]  }
0x182: {  	v29 =	vld [tilespmem:s16+$0x9800]  }
0x183: {  	v30 =	vld [tilespmem:s16+$0x9810]  }
0x184: {  	v31 =	vld [tilespmem:s16+$0x9820]  }
0x185: {  	v32 =	vld [tilespmem:s16+$0x9830]  }
0x186: {  	v12 =	vld [tilespmem:s16+$0x9840]  }
0x187: {  	v11 =	vld [tilespmem:s16+$0x9850]  }
0x188: {  	v10 =	vld [tilespmem:s16+$0x9860]  }
0x189: {  	v9 =	vld [tilespmem:s16+$0x9870]  }
0x18a: {  	v8 =	vld [tilespmem:s16+$0x9880]  }
0x18b: {  	v7 =	vld [tilespmem:s16+$0x9890]  }
0x18c: {  	v6 =	vld [tilespmem:s16+$0x98A0]  }
0x18d: {  	v5 =	vld [tilespmem:s16+$0x98B0]  }
0x18e: {  	v4 =	vld [tilespmem:s16+$0x98C0]  }
0x18f: {  	v3 =	vld [tilespmem:s16+$0x98D0]  }
0x190: {  	v2 =	vld [tilespmem:s16+$0x98E0]  }
0x191: {  	v1 =	vld [tilespmem:s16+$0x98F0]  }
0x192: {  	v33 =	vld [tilespmem:s16+$0x6700]  }
0x193: {  	v34 =	vld [tilespmem:s16+$0x6710]  }
0x194: {  	v35 =	vld [tilespmem:s16+$0x6720]  }
0x195: {  	v36 =	vld [tilespmem:s16+$0x6730]  }
0x196: {  	v37 =	vld [tilespmem:s16+$0x6740]  }
0x197: {  	v14 =	vadd.f32 v14, v33;
	v33 =	vld [tilespmem:s16+$0x6750]  }
0x198: {  	v13 =	vadd.f32 v13, v34;
	v34 =	vld [tilespmem:s16+$0x6760]  }
0x199: {  	v14 =	vmax.f32 v14, $0.0e+00;
	v15 =	vadd.f32 v15, v35;
	v35 =	vld [tilespmem:s16+$0x6770]  }
0x19a: {  	[tilespmem:s16+$0x6700] =	vst v14;
	v13 =	vmax.f32 v13, $0.0e+00;
	v14 =	vadd.f32 v16, v36;
	v16 =	vld [tilespmem:s16+$0x6780]  }
0x19b: {  	[tilespmem:s16+$0x6710] =	vst v13;
	v13 =	vmax.f32 v15, $0.0e+00;
	v15 =	vadd.f32 v17, v37;
	v17 =	vld [tilespmem:s16+$0x6790]  }
0x19c: {  	[tilespmem:s16+$0x6720] =	vst v13;
	v13 =	vmax.f32 v14, $0.0e+00;
	v14 =	vadd.f32 v18, v33;
	v18 =	vld [tilespmem:s16+$0x67A0]  }
0x19d: {  	[tilespmem:s16+$0x6730] =	vst v13;
	v13 =	vmax.f32 v15, $0.0e+00;
	v15 =	vadd.f32 v19, v34;
	v19 =	vld [tilespmem:s16+$0x67B0]  }
0x19e: {  	[tilespmem:s16+$0x6740] =	vst v13;
	v13 =	vmax.f32 v14, $0.0e+00;
	v14 =	vadd.f32 v20, v35;
	v20 =	vld [tilespmem:s16+$0x67C0]  }
0x19f: {  	[tilespmem:s16+$0x6750] =	vst v13;
	v13 =	vmax.f32 v15, $0.0e+00;
	v15 =	vadd.f32 v21, v16;
	v16 =	vld [tilespmem:s16+$0x67D0]  }
0x1a0: {  	[tilespmem:s16+$0x6760] =	vst v13;
	v13 =	vmax.f32 v14, $0.0e+00;
	v14 =	vadd.f32 v22, v17;
	v17 =	vld [tilespmem:s16+$0x67E0]  }
0x1a1: {  	[tilespmem:s16+$0x6770] =	vst v13;
	v13 =	vmax.f32 v15, $0.0e+00;
	v15 =	vadd.f32 v23, v18;
	v18 =	vld [tilespmem:s16+$0x67F0]  }
0x1a2: {  	[tilespmem:s16+$0x6780] =	vst v13;
	v13 =	vmax.f32 v14, $0.0e+00;
	v14 =	vadd.f32 v24, v19;
	v19 =	vld [tilespmem:s16+$0x6800]  }
0x1a3: {  	[tilespmem:s16+$0x6790] =	vst v13;
	v13 =	vmax.f32 v15, $0.0e+00;
	v15 =	vadd.f32 v25, v20;
	v20 =	vld [tilespmem:s16+$0x6810]  }
0x1a4: {  	[tilespmem:s16+$0x67A0] =	vst v13;
	v13 =	vmax.f32 v14, $0.0e+00;
	v14 =	vadd.f32 v26, v16;
	v16 =	vld [tilespmem:s16+$0x6820]  }
0x1a5: {  	[tilespmem:s16+$0x67B0] =	vst v13;
	v13 =	vmax.f32 v15, $0.0e+00;
	v15 =	vadd.f32 v27, v17;
	v17 =	vld [tilespmem:s16+$0x6830]  }
0x1a6: {  	[tilespmem:s16+$0x67C0] =	vst v13;
	v13 =	vmax.f32 v14, $0.0e+00;
	v14 =	vadd.f32 v28, v18;
	v18 =	vld [tilespmem:s16+$0x6840]  }
0x1a7: {  	[tilespmem:s16+$0x67D0] =	vst v13;
	v13 =	vmax.f32 v15, $0.0e+00;
	v15 =	vadd.f32 v29, v19;
	v19 =	vld [tilespmem:s16+$0x6850]  }
0x1a8: {  	[tilespmem:s16+$0x67E0] =	vst v13;
	v13 =	vmax.f32 v14, $0.0e+00;
	v14 =	vadd.f32 v30, v20;
	v20 =	vld [tilespmem:s16+$0x6860]  }
0x1a9: {  	[tilespmem:s16+$0x67F0] =	vst v13;
	v13 =	vmax.f32 v15, $0.0e+00;
	v15 =	vadd.f32 v31, v16;
	v16 =	vld [tilespmem:s16+$0x6870]  }
0x1aa: {  	[tilespmem:s16+$0x6800] =	vst v13;
	v13 =	vmax.f32 v14, $0.0e+00;
	v14 =	vadd.f32 v32, v17;
	v17 =	vld [tilespmem:s16+$0x6880]  }
0x1ab: {  	[tilespmem:s16+$0x6810] =	vst v13;
	v13 =	vmax.f32 v15, $0.0e+00;
	v12 =	vadd.f32 v12, v18;
	v15 =	vld [tilespmem:s16+$0x6890]  }
.Ltmp5:
0x1ac: {  	[tilespmem:s16+$0x6820] =	vst v13;
	v13 =	vmax.f32 v14, $0.0e+00;
	v14 =	vadd.f32 v11, v19;
	v11 =	vld [tilespmem:s16+$0x68A0];
	(pc) =	sbr.rel @p0 .LBB2_8-.Ltmp5, $4  }
0x1ad: {  	[tilespmem:s16+$0x6830] =	vst v13;
	v12 =	vmax.f32 v12, $0.0e+00;
	v13 =	vadd.f32 v10, v20;
	v10 =	vld [tilespmem:s16+$0x68B0]  }
0x1ae: {  	[tilespmem:s16+$0x6840] =	vst v12;
	v12 =	vmax.f32 v14, $0.0e+00;
	v14 =	vadd.f32 v9, v16;
	v9 =	vld [tilespmem:s16+$0x68C0]  }
0x1af: {  	[tilespmem:s16+$0x6850] =	vst v12;
	v12 =	vmax.f32 v13, $0.0e+00;
	v13 =	vadd.f32 v8, v17;
	v8 =	vld [tilespmem:s16+$0x68D0]  }
0x1b0: {  	s17 =	sadd.s32 $0x800, s17;
	[tilespmem:s16+$0x6860] =	vst v12;
	v14 =	vmax.f32 v14, $0.0e+00;
	v12 =	vadd.f32 v7, v15;
	v7 =	vld [tilespmem:s16+$0x68E0]  }
0x1b1: {  	[tilespmem:s16+$0x6870] =	vst v14;
	v13 =	vmax.f32 v13, $0.0e+00;
	v6 =	vadd.f32 v6, v11;
	v63 =	vld [tilespmem:s16+$0x68F0]  }
0x1b2: {  	[tilespmem:s16+$0x6880] =	vst v13;
	v12 =	vmax.f32 v12, $0.0e+00;
	v5 =	vadd.f32 v5, v10  }
0x1b3: {  	[tilespmem:s16+$0x6890] =	vst v12;
	v6 =	vmax.f32 v6, $0.0e+00;
	v4 =	vadd.f32 v4, v9  }
0x1b4: {  	[tilespmem:s16+$0x68A0] =	vst v6;
	v5 =	vmax.f32 v5, $0.0e+00;
	v3 =	vadd.f32 v3, v8  }
0x1b5: {  	[tilespmem:s16+$0x68B0] =	vst v5;
	v4 =	vmax.f32 v4, $0.0e+00;
	v2 =	vadd.f32 v2, v7  }
0x1b6: {  	[tilespmem:s16+$0x68C0] =	vst v4;
	v3 =	vmax.f32 v3, $0.0e+00;
	v1 =	vadd.f32 v1, v63  }
0x1b7: {  	[tilespmem:s16+$0x68D0] =	vst v3;
	v2 =	vmax.f32 v2, $0.0e+00  }
0x1b8: {  	[tilespmem:s16+$0x68E0] =	vst v2;
	v1 =	vmax.f32 v1, $0.0e+00  }
.Ltmp6:
0x1b9: {  	[tilespmem:s16+$0x68F0] =	vst v1;
	(pc) =	sbr.rel .LBB2_10-.Ltmp6, $4  }
0x1ba: {  	[spmem:s3] =	stream.indirect.scatter.add.f32 [tilespmem:s13], [sflag:$0x5], $0x80, s10, s2, $0xb8;
	[tilespmem:$0x1F000] =	vst v63  }
0x1bb: {  	_ =	swait.ge [sflag:s29], $0x1800  }
0x1bc: {  	[sflag:s29] =	ssyncset.done $0x0  }
0x1bd: {  	[sflag:s29] =	ssyncadd.s32 $0xFFFFE800  }
.LBB2_11:
0x1be: {  	s15 =	stileid.u32  }
0x1bf: {  	[bflag:$0x0] =	sbarrier.arrive $0xFFFF;
	s15 =	sshll.u32 s15, $0x6  }
0x1c0: {  	s16 =	sadd.s32 $0x0, s25;
	s17 =	sshrl.u32 s11, $0x3;
	s15 =	sor.u32 $0x1C05, s15  }
0x1c1: {  	[hbm:s16], [sflag:s15] =	dma.local [spmem:s17], $0x280  }
0x1c2: {  	s16 =	simm.s32 $0x280;
	s17 =	smov.u32 s12;
	_ =	swait.ge [sflag:s29], $0x280  }
.LBB2_12:
0x1c3: {  	s18 =	sadd.s32 s16, s25;
	[sflag:s29] =	ssyncset.done $0x0;
	p0 =	sne.s32 s16, $0x2580  }
.Ltmp7:
0x1c4: {  	s19 =	sshrl.u32 s17, $0x3;
	[sflag:s29] =	ssyncadd.s32 $0xFFFFFD80;
	(pc) =	sbr.rel @p0 .LBB2_12-.Ltmp7, $3  }
0x1c5: {  	[hbm:s18], [sflag:s15] =	dma.local [spmem:s19], $0x280  }
0x1c6: {  	s16 =	sadd.s32 $0x280, s16;
	_ =	sdelay $0x1  }
0x1c7: {  	s17 =	sadd.s32 $0x1400, s17;
	_ =	swait.ge [sflag:s29], $0x280  }
0x1c8: {  	s14 =	sadd.s32 $0x1, s14;
	s15 =	rddreg [dreg:$0x7]  }
0x1c9: {  	p0 =	sne.s32 s14, s15  }
.Ltmp8:
0x1ca: {  	_ = 	snop;
	(pc) =	sbr.rel @p0 .LBB2_1-.Ltmp8, $3  }
0x1cb: {  	_ =	sdelay $0x1  }
0x1cc: {  	[sflag:s29] =	ssyncset.done $0x0  }
0x1cd: {  	[sflag:s29] =	ssyncadd.s32 $0xFFFFFD80  }
0x1ce: {  	_ =	sfence.sel $0x180000  }
0x1cf: {  	[bflag:$0x0] =	sbarrier.arrive $0xFFFF  }
0x1d0: {  	_ =	strace $0x90000047  }
0x1d1: {  	s0 =	stileid.u32;
	[bflag:$0x2] =	sbarrier.arrive $0xFFFF  }
0x1d2: {  	p0 =	sne.s32 s0, $0x0;
	s0 =	rddreg [dreg:$0x3]  }
0x1d3: {  	s0 =	sadd.s32 @!p0 $0x100000, s0  }
0x1d4: {  	[sflag:s0] =	ssyncadd.tile.s32 @!p0 $0x1;
	_ =	shalt  }
.Lfunc_end2:
_tile_overlayer_lowered:
.L_overlay_start_2:
0x1d5: {  	(tag) =	ssettag $0x2  }
0x1d6: {  	s0 =	rddreg [dreg:$0x0];
	s2 =	stileid.u32  }
0x1d7: {  	s1 =	rddreg [dreg:$0x1];
	p0 =	sne.s32 s2, $0x0  }
0x1d8: {  	s3 =	rddreg [dreg:$0x2];
	[bflag:$0x3] =	sbarrier.arrive $0xFFFF;
	s2 =	simm.s32 @!p0 $0x1C05  }
0x1d9: {  	[timem:s3], [sflag:s2] =	dma.local @!p0 [hbm:s0], s1  }
0x1da: {  	s0 =	simm.s32 @!p0 $0x5  }
0x1db: {  	_ =	swait.ge @!p0 [sflag:s0], s1  }
0x1dc: {  	s1 =	ssub.s32 @!p0 $0x0, s1;
	[sflag:s0] =	ssyncset.done @!p0 $0x0  }
0x1dd: {  	[sflag:s0] =	ssyncadd.s32 @!p0 s1  }
0x1de: {  	[bflag:$0x3] =	sbarrier.arrive $0xFFFF  }
0x1df: {  	_ =	shalt  }

</sc_bundles>
